<compile_context>
chip_gen: v7x
topology: tpu7x:2x2x1
jax: 0.10.2.dev20260603
libtpu: 0.0.44.dev20260713+nightly
codegen_flags: <defaults>
</compile_context>

<pallas_src>
import jax
import jax.numpy as jnp
from jax import lax
from jax.experimental import pallas as pl
from jax.experimental.pallas import tpu as pltpu
from jax.experimental.pallas import tpu_sc as plsc

N_NODES = 10000
E_EDGES = 320000
D = 128

NUM_CORES = 2
NUM_SUBCORES = 16
CHUNK = 125
EDGES_PER_TILE = E_EDGES // NUM_SUBCORES
NCHUNK = EDGES_PER_TILE // CHUNK
ROWS_PER_TILE = N_NODES // NUM_SUBCORES
CNT_W = 8

NMSG = 2
NIDX = 4
UNROLL = 4
NITER = NCHUNK // UNROLL


def _sc_aggregate_body(x_hbm, eif_hbm, eic_hbm, zrow_hbm, zcnt_hbm,
                       ones_hbm, acc_hbm, cnt_hbm, *scr):
    sidxb = scr[0:NIDX]
    didxb = scr[NIDX:2 * NIDX]
    msg = scr[2 * NIDX:2 * NIDX + NMSG]
    ones_v = scr[2 * NIDX + NMSG]
    o = 2 * NIDX + NMSG + 1
    sem_is = scr[o:o + NIDX]
    sem_id = scr[o + NIDX:o + 2 * NIDX]
    sem_g = scr[o + 2 * NIDX:o + 2 * NIDX + NMSG]
    sem_s = scr[o + 2 * NIDX + NMSG:o + 2 * NIDX + 2 * NMSG]
    sem_c = scr[o + 2 * NIDX + 2 * NMSG:o + 2 * NIDX + 3 * NMSG]
    acc_sh, cnt_sh = scr[o + 2 * NIDX + 3 * NMSG:]

    c = lax.axis_index("c")
    s = lax.axis_index("s")
    rows = pl.ds(s * ROWS_PER_TILE, ROWS_PER_TILE)

    pltpu.async_copy(zrow_hbm, acc_sh.at[rows, :], sem_g[1])
    pltpu.async_copy(zcnt_hbm, cnt_sh.at[rows, :], sem_s[1])
    pltpu.sync_copy(ones_hbm, ones_v)


    def run_pipeline(e_hbm):
        def sidx_src(ch):
            return e_hbm.at[0, s, ch]

        def didx_src(ch):
            return e_hbm.at[1, s, ch]

        for q in range(3):
            pltpu.async_copy(sidx_src(q), sidxb[q], sem_is[q])
            pltpu.async_copy(didx_src(q), didxb[q], sem_id[q])
        pltpu.make_async_copy(sidx_src(0), sidxb[0], sem_is[0]).wait()
        pltpu.async_copy(x_hbm.at[sidxb[0]], msg[0], sem_g[0])
        pltpu.make_async_copy(zrow_hbm, acc_sh.at[rows, :], sem_g[1]).wait()
        pltpu.make_async_copy(zcnt_hbm, cnt_sh.at[rows, :], sem_s[1]).wait()
        plsc.subcore_barrier()

        def step(i, carry):
            for k in range(UNROLL):
                ch = UNROLL * i + k
                m = k % NMSG
                q = k % NIDX
                m1 = (k + 1) % NMSG
                q1 = (k + 1) % NIDX
                q3 = (k + 3) % NIDX

                pltpu.make_async_copy(x_hbm.at[sidxb[q]], msg[m],
                                      sem_g[m]).wait()
                pltpu.make_async_copy(didx_src(ch), didxb[q], sem_id[q]).wait()
                pltpu.async_copy(msg[m], acc_sh.at[didxb[q]], sem_s[m],
                                 add=True)
                pltpu.async_copy(ones_v, cnt_sh.at[didxb[q]], sem_c[m],
                                 add=True)

                def issue_gather():
                    def wait_scatter():
                        pltpu.make_async_copy(msg[m1], acc_sh.at[didxb[q3]],
                                              sem_s[m1]).wait()
                        pltpu.make_async_copy(ones_v, cnt_sh.at[didxb[q3]],
                                              sem_c[m1]).wait()
                    if k == 0:
                        pl.when(i > 0)(wait_scatter)
                    else:
                        wait_scatter()
                    pltpu.make_async_copy(sidx_src(ch + 1), sidxb[q1],
                                          sem_is[q1]).wait()
                    pltpu.async_copy(x_hbm.at[sidxb[q1]], msg[m1], sem_g[m1])

                if k <= 2:
                    issue_gather()
                else:
                    pl.when(i < NITER - 1)(issue_gather)

                def issue_idx():
                    pltpu.async_copy(sidx_src(ch + 3), sidxb[q3], sem_is[q3])
                    pltpu.async_copy(didx_src(ch + 3), didxb[q3], sem_id[q3])

                if k == 0:
                    issue_idx()
                else:
                    pl.when(i < NITER - 1)(issue_idx)
            return carry

        lax.fori_loop(0, NITER, step, 0)
        for ch_tail in (NCHUNK - 2, NCHUNK - 1):
            m = ch_tail % NMSG
            q = ch_tail % NIDX
            pltpu.make_async_copy(msg[m], acc_sh.at[didxb[q]], sem_s[m]).wait()
            pltpu.make_async_copy(ones_v, cnt_sh.at[didxb[q]], sem_c[m]).wait()

    pl.when(c == 0)(lambda: run_pipeline(eif_hbm))
    pl.when(c == 1)(lambda: run_pipeline(eic_hbm))
    plsc.subcore_barrier()

    pltpu.sync_copy(acc_sh.at[rows, :], acc_hbm.at[c, rows, :])
    pltpu.sync_copy(cnt_sh.at[rows, :], cnt_hbm.at[c, rows, :])


def _tc_linear_body(accf_ref, cntf_ref, wtf_ref, bf_ref,
                    accc_ref, cntc_ref, wtc_ref, bc_ref,
                    outu_ref, outi_ref):
    cntf = cntf_ref[0, :, 0:1]
    outu_ref[...] = (
        jnp.dot(accf_ref[0] * (1.0 / jnp.maximum(cntf, 1.0)), wtf_ref[...],
                preferred_element_type=jnp.float32)
        + jnp.minimum(cntf, 1.0) * bf_ref[...])
    cntc = cntc_ref[0, :, 0:1]
    outi_ref[...] = (
        jnp.dot(accc_ref[0] * (1.0 / jnp.maximum(cntc, 1.0)), wtc_ref[...],
                preferred_element_type=jnp.float32)
        + jnp.minimum(cntc, 1.0) * bc_ref[...])


def kernel(x_user, x_item, edge_index_follows, edge_index_clicks,
           W_follows, b_follows, W_clicks, b_clicks):
    del x_item

    eif = edge_index_follows.reshape(2, NUM_SUBCORES, NCHUNK, CHUNK)
    eic = edge_index_clicks.reshape(2, NUM_SUBCORES, NCHUNK, CHUNK)
    zrow = jnp.zeros((ROWS_PER_TILE, D), jnp.float32)
    zcnt = jnp.zeros((ROWS_PER_TILE, CNT_W), jnp.float32)
    ones = jnp.ones((CHUNK, CNT_W), jnp.float32)

    mesh = plsc.VectorSubcoreMesh(core_axis_name="c", subcore_axis_name="s",
                                  num_cores=NUM_CORES,
                                  num_subcores=NUM_SUBCORES)
    acc, cnt = pl.kernel(
        _sc_aggregate_body,
        out_type=[
            jax.ShapeDtypeStruct((NUM_CORES, N_NODES, D), jnp.float32),
            jax.ShapeDtypeStruct((NUM_CORES, N_NODES, CNT_W), jnp.float32),
        ],
        mesh=mesh,
        compiler_params=pltpu.CompilerParams(use_tc_tiling_on_sc=False),
        scratch_types=(
            [pltpu.VMEM((CHUNK,), jnp.int32)] * (2 * NIDX)
            + [pltpu.VMEM((CHUNK, D), jnp.float32)] * NMSG
            + [pltpu.VMEM((CHUNK, CNT_W), jnp.float32)]
            + [pltpu.SemaphoreType.DMA] * (2 * NIDX + 3 * NMSG)
            + [pltpu.VMEM_SHARED((N_NODES, D), jnp.float32),
               pltpu.VMEM_SHARED((N_NODES, CNT_W), jnp.float32)]
        ),
    )(x_user, eif, eic, zrow, zcnt, ones)

    ROW_BLK = 2000
    grid = (N_NODES // ROW_BLK,)
    accf_spec = pl.BlockSpec((1, ROW_BLK, D), lambda m: (0, m, 0))
    accc_spec = pl.BlockSpec((1, ROW_BLK, D), lambda m: (1, m, 0))
    cntf_spec = pl.BlockSpec((1, ROW_BLK, CNT_W), lambda m: (0, m, 0))
    cntc_spec = pl.BlockSpec((1, ROW_BLK, CNT_W), lambda m: (1, m, 0))
    w_spec = pl.BlockSpec((D, D), lambda m: (0, 0))
    b_spec = pl.BlockSpec((1, D), lambda m: (0, 0))
    out_spec = pl.BlockSpec((ROW_BLK, D), lambda m: (m, 0))
    out_user, out_item = pl.pallas_call(
        _tc_linear_body,
        grid=grid,
        in_specs=[accf_spec, cntf_spec, w_spec, b_spec,
                  accc_spec, cntc_spec, w_spec, b_spec],
        out_specs=[out_spec, out_spec],
        out_shape=[jax.ShapeDtypeStruct((N_NODES, D), jnp.float32),
                   jax.ShapeDtypeStruct((N_NODES, D), jnp.float32)],
    )(acc, cnt, W_follows.T, b_follows.reshape(1, D),
      acc, cnt, W_clicks.T, b_clicks.reshape(1, D))

    return (out_user, out_item)

# --- scband reference (transcript-rebuilt; emitter-appended) ---
"""Pipeline reference for scband-hetero-rgcnlayer-20959440404561 (READ-ONLY COPY).

The authoritative reference and input builder live on the scoring server;
editing this copy changes nothing except your own understanding.
"""

import jax, jax.numpy as jnp
import numpy as np

N_USER = 10000
N_ITEM = 10000
E = 320000
D_IN = 128
D_OUT = 128


def setup_inputs(seed: int = 0) -> dict:
    key = jax.random.key(seed)
    ks = jax.random.split(key, 8)
    x_user = jax.random.normal(ks[0], (N_USER, D_IN), dtype=jnp.float32)
    x_item = jax.random.normal(ks[1], (N_ITEM, D_IN), dtype=jnp.float32)
    edge_index_follows = jax.random.randint(ks[2], (2, E), 0, N_USER, dtype=jnp.int32)
    edge_index_clicks = jax.random.randint(ks[3], (2, E), 0, N_USER, dtype=jnp.int32)
    # note: clicks dst indices must be < N_ITEM; N_ITEM == N_USER so reuse range is fine
    W_follows = jax.random.normal(ks[4], (D_OUT, D_IN), dtype=jnp.float32) * 0.05
    b_follows = jnp.zeros((D_OUT,), dtype=jnp.float32)
    W_clicks = jax.random.normal(ks[5], (D_OUT, D_IN), dtype=jnp.float32) * 0.05
    b_clicks = jnp.zeros((D_OUT,), dtype=jnp.float32)
    return {
        "x_user": x_user,
        "x_item": x_item,
        "edge_index_follows": edge_index_follows,
        "edge_index_clicks": edge_index_clicks,
        "W_follows": W_follows,
        "b_follows": b_follows,
        "W_clicks": W_clicks,
        "b_clicks": b_clicks,
    }


def _mean_agg(Wh, src, dst, num_dst):
    msg = jnp.take(Wh, src, axis=0)
    agg = jax.ops.segment_sum(msg, dst, num_segments=num_dst)
    cnt = jax.ops.segment_sum(jnp.ones((src.shape[0],), dtype=jnp.float32), dst, num_segments=num_dst)
    cnt = jnp.clip(cnt, 1.0, None)
    return agg / cnt[:, None]


def reference(x_user, x_item, edge_index_follows, edge_index_clicks, W_follows, b_follows, W_clicks, b_clicks):
    # edge type ('user', 'follows', 'user')
    Wh_f = x_user @ W_follows.T + b_follows
    out_user = _mean_agg(Wh_f, edge_index_follows[0], edge_index_follows[1], x_user.shape[0])
    # edge type ('user', 'clicks', 'item')
    Wh_c = x_user @ W_clicks.T + b_clicks
    out_item = _mean_agg(Wh_c, edge_index_clicks[0], edge_index_clicks[1], x_item.shape[0])
    return (out_user, out_item)

if __name__ == "__main__":
    import jax
    _d = setup_inputs()
    print(jax.jit(kernel)(*tuple(_d.values())))

</pallas_src>

<mosaic_0001>
#map = affine_map<(d0, d1) -> (0, 0)>
#map1 = affine_map<(d0, d1) -> (0, 0, 0, 0)>
#map2 = affine_map<(d0, d1) -> (0, 0, 0)>
module attributes {stable_mosaic.version = 14 : i64} {
  func.func @_sc_aggregate_body(%arg0: i32, %arg1: i32, %arg2: memref<10000x128xf32, #tpu.memory_space<hbm>>, %arg3: memref<2x16x160x125xi32, #tpu.memory_space<hbm>>, %arg4: memref<2x16x160x125xi32, #tpu.memory_space<hbm>>, %arg5: memref<625x128xf32, #tpu.memory_space<hbm>>, %arg6: memref<625x8xf32, #tpu.memory_space<hbm>>, %arg7: memref<125x8xf32, #tpu.memory_space<hbm>>, %arg8: memref<2x10000x128xf32, #tpu.memory_space<hbm>>, %arg9: memref<2x10000x8xf32, #tpu.memory_space<hbm>>, %arg10: memref<125xi32, #tpu.memory_space<vmem>>, %arg11: memref<125xi32, #tpu.memory_space<vmem>>, %arg12: memref<125xi32, #tpu.memory_space<vmem>>, %arg13: memref<125xi32, #tpu.memory_space<vmem>>, %arg14: memref<125xi32, #tpu.memory_space<vmem>>, %arg15: memref<125xi32, #tpu.memory_space<vmem>>, %arg16: memref<125xi32, #tpu.memory_space<vmem>>, %arg17: memref<125xi32, #tpu.memory_space<vmem>>, %arg18: memref<125x128xf32, #tpu.memory_space<vmem>>, %arg19: memref<125x128xf32, #tpu.memory_space<vmem>>, %arg20: memref<125x8xf32, #tpu.memory_space<vmem>>, %arg21: memref<!tpu.dma_semaphore, #tpu.memory_space<semaphore_mem>>, %arg22: memref<!tpu.dma_semaphore, #tpu.memory_space<semaphore_mem>>, %arg23: memref<!tpu.dma_semaphore, #tpu.memory_space<semaphore_mem>>, %arg24: memref<!tpu.dma_semaphore, #tpu.memory_space<semaphore_mem>>, %arg25: memref<!tpu.dma_semaphore, #tpu.memory_space<semaphore_mem>>, %arg26: memref<!tpu.dma_semaphore, #tpu.memory_space<semaphore_mem>>, %arg27: memref<!tpu.dma_semaphore, #tpu.memory_space<semaphore_mem>>, %arg28: memref<!tpu.dma_semaphore, #tpu.memory_space<semaphore_mem>>, %arg29: memref<!tpu.dma_semaphore, #tpu.memory_space<semaphore_mem>>, %arg30: memref<!tpu.dma_semaphore, #tpu.memory_space<semaphore_mem>>, %arg31: memref<!tpu.dma_semaphore, #tpu.memory_space<semaphore_mem>>, %arg32: memref<!tpu.dma_semaphore, #tpu.memory_space<semaphore_mem>>, %arg33: memref<!tpu.dma_semaphore, #tpu.memory_space<semaphore_mem>>, %arg34: memref<!tpu.dma_semaphore, #tpu.memory_space<semaphore_mem>>, %arg35: memref<10000x128xf32, #tpu.memory_space<vmem_shared>>, %arg36: memref<10000x8xf32, #tpu.memory_space<vmem_shared>>) attributes {dimension_semantics = [#tpu.dimension_semantics<core_parallel>, #tpu.dimension_semantics<subcore_parallel>], iteration_bounds = array<i64: 2, 16>, scalar_prefetch = 0 : i64, scratch_operands = 27 : i64, tpu.core_type = #tpu.core_type<sc_vector_subcore>, window_params = [{transform_indices = #map}, {transform_indices = #map1}, {transform_indices = #map1}, {transform_indices = #map}, {transform_indices = #map}, {transform_indices = #map}, {transform_indices = #map2}, {transform_indices = #map2}]} {
    %mul3A = arith.constant 625 : i32
    %mul3A_0 = arith.muli %arg1, %mul3A : i32
    %dma_start3A = arith.constant 0 : i32
    %dma_start3A_1 = tpu.memref_slice %arg35[%mul3A_0, %dma_start3A] : memref<10000x128xf32, #tpu.memory_space<vmem_shared>> -> memref<625x128xf32, #tpu.memory_space<vmem_shared>>
    tpu.enqueue_dma source(%arg5 : memref<625x128xf32, #tpu.memory_space<hbm>>) target(%dma_start3A_1 : memref<625x128xf32, #tpu.memory_space<vmem_shared>>) target_semaphore(%arg30 : memref<!tpu.dma_semaphore, #tpu.memory_space<semaphore_mem>>)
    %dma_start3A_2 = arith.constant 0 : i32
    %dma_start3A_3 = tpu.memref_slice %arg36[%mul3A_0, %dma_start3A_2] : memref<10000x8xf32, #tpu.memory_space<vmem_shared>> -> memref<625x8xf32, #tpu.memory_space<vmem_shared>>
    tpu.enqueue_dma source(%arg6 : memref<625x8xf32, #tpu.memory_space<hbm>>) target(%dma_start3A_3 : memref<625x8xf32, #tpu.memory_space<vmem_shared>>) target_semaphore(%arg32 : memref<!tpu.dma_semaphore, #tpu.memory_space<semaphore_mem>>)
    "tpu.region"() ({
      %run_scoped3A = tpu.sem_alloc : memref<!tpu.dma_semaphore, #tpu.memory_space<semaphore_mem>>
      tpu.enqueue_dma source(%arg7 : memref<125x8xf32, #tpu.memory_space<hbm>>) target(%arg20 : memref<125x8xf32, #tpu.memory_space<vmem>>) target_semaphore(%run_scoped3A : memref<!tpu.dma_semaphore, #tpu.memory_space<semaphore_mem>>)
      tpu.wait_dma2 semaphore(%run_scoped3A : memref<!tpu.dma_semaphore, #tpu.memory_space<semaphore_mem>>) src(%arg7 : memref<125x8xf32, #tpu.memory_space<hbm>>) dst(%arg20 : memref<125x8xf32, #tpu.memory_space<vmem>>)
      tpu.yield
    }) : () -> ()
    %eq3A = arith.constant 0 : i32
    %eq3A_4 = arith.cmpi eq, %arg0, %eq3A : i32
    %convert_element_type3A = arith.extui %eq3A_4 : i1 to i32
    %cond3A = arith.constant 0 : i32
    %cond3A_5 = arith.cmpi ne, %convert_element_type3A, %cond3A : i32
    scf.if %cond3A_5 {
      %dma_start3A_11 = arith.constant 0 : i32
      %dma_start3A_12 = arith.constant 0 : i32
      %dma_start3A_13 = arith.constant 0 : i32
      %dma_start3A_14 = tpu.memref_slice %arg3[%dma_start3A_11, %arg1, %dma_start3A_12, %dma_start3A_13] : memref<2x16x160x125xi32, #tpu.memory_space<hbm>> -> memref<1x1x1x125xi32, #tpu.memory_space<hbm>>
      %dma_start3A_15 = tpu.memref_squeeze %dma_start3A_14 : memref<1x1x1x125xi32, #tpu.memory_space<hbm>> -> memref<125xi32, #tpu.memory_space<hbm>>
      %dma_start3A_16 = arith.constant 0 : i32
      %dma_start3A_17 = tpu.memref_slice %arg3[%dma_start3A_11, %arg1, %dma_start3A_12, %dma_start3A_16] : memref<2x16x160x125xi32, #tpu.memory_space<hbm>> -> memref<1x1x1x125xi32, #tpu.memory_space<hbm>>
      %dma_start3A_18 = tpu.memref_squeeze %dma_start3A_17 : memref<1x1x1x125xi32, #tpu.memory_space<hbm>> -> memref<125xi32, #tpu.memory_space<hbm>>
      tpu.enqueue_dma source(%dma_start3A_18 : memref<125xi32, #tpu.memory_space<hbm>>) target(%arg10 : memref<125xi32, #tpu.memory_space<vmem>>) target_semaphore(%arg21 : memref<!tpu.dma_semaphore, #tpu.memory_space<semaphore_mem>>)
      %dma_start3A_19 = arith.constant 1 : i32
      %dma_start3A_20 = arith.constant 0 : i32
      %dma_start3A_21 = arith.constant 0 : i32
      %dma_start3A_22 = tpu.memref_slice %arg3[%dma_start3A_19, %arg1, %dma_start3A_20, %dma_start3A_21] : memref<2x16x160x125xi32, #tpu.memory_space<hbm>> -> memref<1x1x1x125xi32, #tpu.memory_space<hbm>>
      %dma_start3A_23 = tpu.memref_squeeze %dma_start3A_22 : memref<1x1x1x125xi32, #tpu.memory_space<hbm>> -> memref<125xi32, #tpu.memory_space<hbm>>
      %dma_start3A_24 = arith.constant 0 : i32
      %dma_start3A_25 = tpu.memref_slice %arg3[%dma_start3A_19, %arg1, %dma_start3A_20, %dma_start3A_24] : memref<2x16x160x125xi32, #tpu.memory_space<hbm>> -> memref<1x1x1x125xi32, #tpu.memory_space<hbm>>
      %dma_start3A_26 = tpu.memref_squeeze %dma_start3A_25 : memref<1x1x1x125xi32, #tpu.memory_space<hbm>> -> memref<125xi32, #tpu.memory_space<hbm>>
      tpu.enqueue_dma source(%dma_start3A_26 : memref<125xi32, #tpu.memory_space<hbm>>) target(%arg14 : memref<125xi32, #tpu.memory_space<vmem>>) target_semaphore(%arg25 : memref<!tpu.dma_semaphore, #tpu.memory_space<semaphore_mem>>)
      %dma_start3A_27 = arith.constant 0 : i32
      %dma_start3A_28 = arith.constant 1 : i32
      %dma_start3A_29 = arith.constant 0 : i32
      %dma_start3A_30 = tpu.memref_slice %arg3[%dma_start3A_27, %arg1, %dma_start3A_28, %dma_start3A_29] : memref<2x16x160x125xi32, #tpu.memory_space<hbm>> -> memref<1x1x1x125xi32, #tpu.memory_space<hbm>>
      %dma_start3A_31 = tpu.memref_squeeze %dma_start3A_30 : memref<1x1x1x125xi32, #tpu.memory_space<hbm>> -> memref<125xi32, #tpu.memory_space<hbm>>
      %dma_start3A_32 = arith.constant 0 : i32
      %dma_start3A_33 = tpu.memref_slice %arg3[%dma_start3A_27, %arg1, %dma_start3A_28, %dma_start3A_32] : memref<2x16x160x125xi32, #tpu.memory_space<hbm>> -> memref<1x1x1x125xi32, #tpu.memory_space<hbm>>
      %dma_start3A_34 = tpu.memref_squeeze %dma_start3A_33 : memref<1x1x1x125xi32, #tpu.memory_space<hbm>> -> memref<125xi32, #tpu.memory_space<hbm>>
      tpu.enqueue_dma source(%dma_start3A_34 : memref<125xi32, #tpu.memory_space<hbm>>) target(%arg11 : memref<125xi32, #tpu.memory_space<vmem>>) target_semaphore(%arg22 : memref<!tpu.dma_semaphore, #tpu.memory_space<semaphore_mem>>)
      %dma_start3A_35 = arith.constant 1 : i32
      %dma_start3A_36 = arith.constant 1 : i32
      %dma_start3A_37 = arith.constant 0 : i32
      %dma_start3A_38 = tpu.memref_slice %arg3[%dma_start3A_35, %arg1, %dma_start3A_36, %dma_start3A_37] : memref<2x16x160x125xi32, #tpu.memory_space<hbm>> -> memref<1x1x1x125xi32, #tpu.memory_space<hbm>>
      %dma_start3A_39 = tpu.memref_squeeze %dma_start3A_38 : memref<1x1x1x125xi32, #tpu.memory_space<hbm>> -> memref<125xi32, #tpu.memory_space<hbm>>
      %dma_start3A_40 = arith.constant 0 : i32
      %dma_start3A_41 = tpu.memref_slice %arg3[%dma_start3A_35, %arg1, %dma_start3A_36, %dma_start3A_40] : memref<2x16x160x125xi32, #tpu.memory_space<hbm>> -> memref<1x1x1x125xi32, #tpu.memory_space<hbm>>
      %dma_start3A_42 = tpu.memref_squeeze %dma_start3A_41 : memref<1x1x1x125xi32, #tpu.memory_space<hbm>> -> memref<125xi32, #tpu.memory_space<hbm>>
      tpu.enqueue_dma source(%dma_start3A_42 : memref<125xi32, #tpu.memory_space<hbm>>) target(%arg15 : memref<125xi32, #tpu.memory_space<vmem>>) target_semaphore(%arg26 : memref<!tpu.dma_semaphore, #tpu.memory_space<semaphore_mem>>)
      %dma_start3A_43 = arith.constant 0 : i32
      %dma_start3A_44 = arith.constant 2 : i32
      %dma_start3A_45 = arith.constant 0 : i32
      %dma_start3A_46 = tpu.memref_slice %arg3[%dma_start3A_43, %arg1, %dma_start3A_44, %dma_start3A_45] : memref<2x16x160x125xi32, #tpu.memory_space<hbm>> -> memref<1x1x1x125xi32, #tpu.memory_space<hbm>>
      %dma_start3A_47 = tpu.memref_squeeze %dma_start3A_46 : memref<1x1x1x125xi32, #tpu.memory_space<hbm>> -> memref<125xi32, #tpu.memory_space<hbm>>
      %dma_start3A_48 = arith.constant 0 : i32
      %dma_start3A_49 = tpu.memref_slice %arg3[%dma_start3A_43, %arg1, %dma_start3A_44, %dma_start3A_48] : memref<2x16x160x125xi32, #tpu.memory_space<hbm>> -> memref<1x1x1x125xi32, #tpu.memory_space<hbm>>
      %dma_start3A_50 = tpu.memref_squeeze %dma_start3A_49 : memref<1x1x1x125xi32, #tpu.memory_space<hbm>> -> memref<125xi32, #tpu.memory_space<hbm>>
      tpu.enqueue_dma source(%dma_start3A_50 : memref<125xi32, #tpu.memory_space<hbm>>) target(%arg12 : memref<125xi32, #tpu.memory_space<vmem>>) target_semaphore(%arg23 : memref<!tpu.dma_semaphore, #tpu.memory_space<semaphore_mem>>)
      %dma_start3A_51 = arith.constant 1 : i32
      %dma_start3A_52 = arith.constant 2 : i32
      %dma_start3A_53 = arith.constant 0 : i32
      %dma_start3A_54 = tpu.memref_slice %arg3[%dma_start3A_51, %arg1, %dma_start3A_52, %dma_start3A_53] : memref<2x16x160x125xi32, #tpu.memory_space<hbm>> -> memref<1x1x1x125xi32, #tpu.memory_space<hbm>>
      %dma_start3A_55 = tpu.memref_squeeze %dma_start3A_54 : memref<1x1x1x125xi32, #tpu.memory_space<hbm>> -> memref<125xi32, #tpu.memory_space<hbm>>
      %dma_start3A_56 = arith.constant 0 : i32
      %dma_start3A_57 = tpu.memref_slice %arg3[%dma_start3A_51, %arg1, %dma_start3A_52, %dma_start3A_56] : memref<2x16x160x125xi32, #tpu.memory_space<hbm>> -> memref<1x1x1x125xi32, #tpu.memory_space<hbm>>
      %dma_start3A_58 = tpu.memref_squeeze %dma_start3A_57 : memref<1x1x1x125xi32, #tpu.memory_space<hbm>> -> memref<125xi32, #tpu.memory_space<hbm>>
      tpu.enqueue_dma source(%dma_start3A_58 : memref<125xi32, #tpu.memory_space<hbm>>) target(%arg16 : memref<125xi32, #tpu.memory_space<vmem>>) target_semaphore(%arg27 : memref<!tpu.dma_semaphore, #tpu.memory_space<semaphore_mem>>)
      %dma_wait3A = arith.constant 0 : i32
      %dma_wait3A_59 = arith.constant 0 : i32
      %dma_wait3A_60 = arith.constant 0 : i32
      %dma_wait3A_61 = tpu.memref_slice %arg3[%dma_wait3A, %arg1, %dma_wait3A_59, %dma_wait3A_60] : memref<2x16x160x125xi32, #tpu.memory_space<hbm>> -> memref<1x1x1x125xi32, #tpu.memory_space<hbm>>
      %dma_wait3A_62 = tpu.memref_squeeze %dma_wait3A_61 : memref<1x1x1x125xi32, #tpu.memory_space<hbm>> -> memref<125xi32, #tpu.memory_space<hbm>>
      %dma_wait3A_63 = arith.constant 0 : i32
      %dma_wait3A_64 = tpu.memref_slice %arg3[%dma_wait3A, %arg1, %dma_wait3A_59, %dma_wait3A_63] : memref<2x16x160x125xi32, #tpu.memory_space<hbm>> -> memref<1x1x1x125xi32, #tpu.memory_space<hbm>>
      %dma_wait3A_65 = tpu.memref_squeeze %dma_wait3A_64 : memref<1x1x1x125xi32, #tpu.memory_space<hbm>> -> memref<125xi32, #tpu.memory_space<hbm>>
      tpu.wait_dma2 semaphore(%arg21 : memref<!tpu.dma_semaphore, #tpu.memory_space<semaphore_mem>>) src(%dma_wait3A_65 : memref<125xi32, #tpu.memory_space<hbm>>) dst(%arg10 : memref<125xi32, #tpu.memory_space<vmem>>)
      %dma_start3A_66 = arith.constant 0 : i32
      %dma_start3A_67 = arith.constant 0 : i32
      %dma_start3A_68 = tpu.memref_slice %arg2[%dma_start3A_66, %dma_start3A_67] : memref<10000x128xf32, #tpu.memory_space<hbm>> -> memref<10000x128xf32, #tpu.memory_space<hbm>>
      tpu.enqueue_indirect_dma source(%dma_start3A_68 : memref<10000x128xf32, #tpu.memory_space<hbm>>) target(%arg18 : memref<125x128xf32, #tpu.memory_space<vmem>>) offsets(%arg10 : memref<125xi32, #tpu.memory_space<vmem>>) semaphore(%arg29 : memref<!tpu.dma_semaphore, #tpu.memory_space<semaphore_mem>>)
      %dma_wait3A_69 = arith.constant 0 : i32
      %dma_wait3A_70 = tpu.memref_slice %arg35[%mul3A_0, %dma_wait3A_69] : memref<10000x128xf32, #tpu.memory_space<vmem_shared>> -> memref<625x128xf32, #tpu.memory_space<vmem_shared>>
      tpu.wait_dma2 semaphore(%arg30 : memref<!tpu.dma_semaphore, #tpu.memory_space<semaphore_mem>>) src(%arg5 : memref<625x128xf32, #tpu.memory_space<hbm>>) dst(%dma_wait3A_70 : memref<625x128xf32, #tpu.memory_space<vmem_shared>>)
      %dma_wait3A_71 = arith.constant 0 : i32
      %dma_wait3A_72 = tpu.memref_slice %arg36[%mul3A_0, %dma_wait3A_71] : memref<10000x8xf32, #tpu.memory_space<vmem_shared>> -> memref<625x8xf32, #tpu.memory_space<vmem_shared>>
      tpu.wait_dma2 semaphore(%arg32 : memref<!tpu.dma_semaphore, #tpu.memory_space<semaphore_mem>>) src(%arg6 : memref<625x8xf32, #tpu.memory_space<hbm>>) dst(%dma_wait3A_72 : memref<625x8xf32, #tpu.memory_space<vmem_shared>>)
      %barrier3A_73 = arith.constant 0 : index
      tpu.barrier barrier_id(%barrier3A_73)
      %scan3A = arith.constant 0 : i32
      %scan3A_74 = arith.constant 0 : i32
      %scan3A_75 = arith.constant 40 : i32
      %scan3A_76 = arith.addi %scan3A_74, %scan3A_75 : i32
      %scan3A_77 = arith.constant 1 : i32
      scf.for %scan3A_91 = %scan3A_74 to %scan3A_76 step %scan3A_77  : i32 {
        %mul3A_92 = arith.constant 4 : i32
        %mul3A_93 = arith.muli %mul3A_92, %scan3A_91 : i32
        %add3A = arith.constant 0 : i32
        %add3A_94 = arith.addi %mul3A_93, %add3A : i32
        %dma_wait3A_95 = arith.constant 0 : i32
        %dma_wait3A_96 = arith.constant 0 : i32
        %dma_wait3A_97 = tpu.memref_slice %arg2[%dma_wait3A_95, %dma_wait3A_96] : memref<10000x128xf32, #tpu.memory_space<hbm>> -> memref<10000x128xf32, #tpu.memory_space<hbm>>
        tpu.wait_indirect_dma semaphore(%arg29 : memref<!tpu.dma_semaphore, #tpu.memory_space<semaphore_mem>>) src(%dma_wait3A_97 : memref<10000x128xf32, #tpu.memory_space<hbm>>) dst(%arg18 : memref<125x128xf32, #tpu.memory_space<vmem>>)
        %dma_wait3A_98 = arith.constant 1 : i32
        %dma_wait3A_99 = arith.constant 0 : i32
        %dma_wait3A_100 = tpu.memref_slice %arg3[%dma_wait3A_98, %arg1, %add3A_94, %dma_wait3A_99] : memref<2x16x160x125xi32, #tpu.memory_space<hbm>> -> memref<1x1x1x125xi32, #tpu.memory_space<hbm>>
        %dma_wait3A_101 = tpu.memref_squeeze %dma_wait3A_100 : memref<1x1x1x125xi32, #tpu.memory_space<hbm>> -> memref<125xi32, #tpu.memory_space<hbm>>
        %dma_wait3A_102 = arith.constant 0 : i32
        %dma_wait3A_103 = tpu.memref_slice %arg3[%dma_wait3A_98, %arg1, %add3A_94, %dma_wait3A_102] : memref<2x16x160x125xi32, #tpu.memory_space<hbm>> -> memref<1x1x1x125xi32, #tpu.memory_space<hbm>>
        %dma_wait3A_104 = tpu.memref_squeeze %dma_wait3A_103 : memref<1x1x1x125xi32, #tpu.memory_space<hbm>> -> memref<125xi32, #tpu.memory_space<hbm>>
        tpu.wait_dma2 semaphore(%arg25 : memref<!tpu.dma_semaphore, #tpu.memory_space<semaphore_mem>>) src(%dma_wait3A_104 : memref<125xi32, #tpu.memory_space<hbm>>) dst(%arg14 : memref<125xi32, #tpu.memory_space<vmem>>)
        %dma_start3A_105 = arith.constant 0 : i32
        %dma_start3A_106 = arith.constant 0 : i32
        %dma_start3A_107 = tpu.memref_slice %arg35[%dma_start3A_105, %dma_start3A_106] : memref<10000x128xf32, #tpu.memory_space<vmem_shared>> -> memref<10000x128xf32, #tpu.memory_space<vmem_shared>>
        tpu.enqueue_indirect_dma source(%arg18 : memref<125x128xf32, #tpu.memory_space<vmem>>) target(%dma_start3A_107 : memref<10000x128xf32, #tpu.memory_space<vmem_shared>>) offsets(%arg14 : memref<125xi32, #tpu.memory_space<vmem>>) semaphore(%arg31 : memref<!tpu.dma_semaphore, #tpu.memory_space<semaphore_mem>>) {add = true}
        %dma_start3A_108 = arith.constant 0 : i32
        %dma_start3A_109 = arith.constant 0 : i32
        %dma_start3A_110 = tpu.memref_slice %arg36[%dma_start3A_108, %dma_start3A_109] : memref<10000x8xf32, #tpu.memory_space<vmem_shared>> -> memref<10000x8xf32, #tpu.memory_space<vmem_shared>>
        tpu.enqueue_indirect_dma source(%arg20 : memref<125x8xf32, #tpu.memory_space<vmem>>) target(%dma_start3A_110 : memref<10000x8xf32, #tpu.memory_space<vmem_shared>>) offsets(%arg14 : memref<125xi32, #tpu.memory_space<vmem>>) semaphore(%arg33 : memref<!tpu.dma_semaphore, #tpu.memory_space<semaphore_mem>>) {add = true}
        %gt3A = arith.constant 0 : i32
        %gt3A_111 = arith.cmpi sgt, %scan3A_91, %gt3A : i32
        %convert_element_type3A_112 = arith.extui %gt3A_111 : i1 to i32
        %cond3A_113 = arith.constant 0 : i32
        %cond3A_114 = arith.cmpi ne, %convert_element_type3A_112, %cond3A_113 : i32
        scf.if %cond3A_114 {
          %dma_wait3A_260 = arith.constant 0 : i32
          %dma_wait3A_261 = arith.constant 0 : i32
          %dma_wait3A_262 = tpu.memref_slice %arg35[%dma_wait3A_260, %dma_wait3A_261] : memref<10000x128xf32, #tpu.memory_space<vmem_shared>> -> memref<10000x128xf32, #tpu.memory_space<vmem_shared>>
          tpu.wait_indirect_dma semaphore(%arg32 : memref<!tpu.dma_semaphore, #tpu.memory_space<semaphore_mem>>) src(%arg19 : memref<125x128xf32, #tpu.memory_space<vmem>>) dst(%dma_wait3A_262 : memref<10000x128xf32, #tpu.memory_space<vmem_shared>>)
          %dma_wait3A_263 = arith.constant 0 : i32
          %dma_wait3A_264 = arith.constant 0 : i32
          %dma_wait3A_265 = tpu.memref_slice %arg36[%dma_wait3A_263, %dma_wait3A_264] : memref<10000x8xf32, #tpu.memory_space<vmem_shared>> -> memref<10000x8xf32, #tpu.memory_space<vmem_shared>>
          tpu.wait_indirect_dma semaphore(%arg34 : memref<!tpu.dma_semaphore, #tpu.memory_space<semaphore_mem>>) src(%arg20 : memref<125x8xf32, #tpu.memory_space<vmem>>) dst(%dma_wait3A_265 : memref<10000x8xf32, #tpu.memory_space<vmem_shared>>)
        } else {
        }
        %add3A_115 = arith.constant 1 : i32
        %add3A_116 = arith.addi %add3A_94, %add3A_115 : i32
        %dma_wait3A_117 = arith.constant 0 : i32
        %dma_wait3A_118 = arith.constant 0 : i32
        %dma_wait3A_119 = tpu.memref_slice %arg3[%dma_wait3A_117, %arg1, %add3A_116, %dma_wait3A_118] : memref<2x16x160x125xi32, #tpu.memory_space<hbm>> -> memref<1x1x1x125xi32, #tpu.memory_space<hbm>>
        %dma_wait3A_120 = tpu.memref_squeeze %dma_wait3A_119 : memref<1x1x1x125xi32, #tpu.memory_space<hbm>> -> memref<125xi32, #tpu.memory_space<hbm>>
        %dma_wait3A_121 = arith.constant 0 : i32
        %dma_wait3A_122 = tpu.memref_slice %arg3[%dma_wait3A_117, %arg1, %add3A_116, %dma_wait3A_121] : memref<2x16x160x125xi32, #tpu.memory_space<hbm>> -> memref<1x1x1x125xi32, #tpu.memory_space<hbm>>
        %dma_wait3A_123 = tpu.memref_squeeze %dma_wait3A_122 : memref<1x1x1x125xi32, #tpu.memory_space<hbm>> -> memref<125xi32, #tpu.memory_space<hbm>>
        tpu.wait_dma2 semaphore(%arg22 : memref<!tpu.dma_semaphore, #tpu.memory_space<semaphore_mem>>) src(%dma_wait3A_123 : memref<125xi32, #tpu.memory_space<hbm>>) dst(%arg11 : memref<125xi32, #tpu.memory_space<vmem>>)
        %dma_start3A_124 = arith.constant 0 : i32
        %dma_start3A_125 = arith.constant 0 : i32
        %dma_start3A_126 = tpu.memref_slice %arg2[%dma_start3A_124, %dma_start3A_125] : memref<10000x128xf32, #tpu.memory_space<hbm>> -> memref<10000x128xf32, #tpu.memory_space<hbm>>
        tpu.enqueue_indirect_dma source(%dma_start3A_126 : memref<10000x128xf32, #tpu.memory_space<hbm>>) target(%arg19 : memref<125x128xf32, #tpu.memory_space<vmem>>) offsets(%arg11 : memref<125xi32, #tpu.memory_space<vmem>>) semaphore(%arg30 : memref<!tpu.dma_semaphore, #tpu.memory_space<semaphore_mem>>)
        %add3A_127 = arith.constant 3 : i32
        %add3A_128 = arith.addi %add3A_94, %add3A_127 : i32
        %dma_start3A_129 = arith.constant 0 : i32
        %dma_start3A_130 = arith.constant 0 : i32
        %dma_start3A_131 = tpu.memref_slice %arg3[%dma_start3A_129, %arg1, %add3A_128, %dma_start3A_130] : memref<2x16x160x125xi32, #tpu.memory_space<hbm>> -> memref<1x1x1x125xi32, #tpu.memory_space<hbm>>
        %dma_start3A_132 = tpu.memref_squeeze %dma_start3A_131 : memref<1x1x1x125xi32, #tpu.memory_space<hbm>> -> memref<125xi32, #tpu.memory_space<hbm>>
        %dma_start3A_133 = arith.constant 0 : i32
        %dma_start3A_134 = tpu.memref_slice %arg3[%dma_start3A_129, %arg1, %add3A_128, %dma_start3A_133] : memref<2x16x160x125xi32, #tpu.memory_space<hbm>> -> memref<1x1x1x125xi32, #tpu.memory_space<hbm>>
        %dma_start3A_135 = tpu.memref_squeeze %dma_start3A_134 : memref<1x1x1x125xi32, #tpu.memory_space<hbm>> -> memref<125xi32, #tpu.memory_space<hbm>>
        tpu.enqueue_dma source(%dma_start3A_135 : memref<125xi32, #tpu.memory_space<hbm>>) target(%arg13 : memref<125xi32, #tpu.memory_space<vmem>>) target_semaphore(%arg24 : memref<!tpu.dma_semaphore, #tpu.memory_space<semaphore_mem>>)
        %add3A_136 = arith.constant 3 : i32
        %add3A_137 = arith.addi %add3A_94, %add3A_136 : i32
        %dma_start3A_138 = arith.constant 1 : i32
        %dma_start3A_139 = arith.constant 0 : i32
        %dma_start3A_140 = tpu.memref_slice %arg3[%dma_start3A_138, %arg1, %add3A_137, %dma_start3A_139] : memref<2x16x160x125xi32, #tpu.memory_space<hbm>> -> memref<1x1x1x125xi32, #tpu.memory_space<hbm>>
        %dma_start3A_141 = tpu.memref_squeeze %dma_start3A_140 : memref<1x1x1x125xi32, #tpu.memory_space<hbm>> -> memref<125xi32, #tpu.memory_space<hbm>>
        %dma_start3A_142 = arith.constant 0 : i32
        %dma_start3A_143 = tpu.memref_slice %arg3[%dma_start3A_138, %arg1, %add3A_137, %dma_start3A_142] : memref<2x16x160x125xi32, #tpu.memory_space<hbm>> -> memref<1x1x1x125xi32, #tpu.memory_space<hbm>>
        %dma_start3A_144 = tpu.memref_squeeze %dma_start3A_143 : memref<1x1x1x125xi32, #tpu.memory_space<hbm>> -> memref<125xi32, #tpu.memory_space<hbm>>
        tpu.enqueue_dma source(%dma_start3A_144 : memref<125xi32, #tpu.memory_space<hbm>>) target(%arg17 : memref<125xi32, #tpu.memory_space<vmem>>) target_semaphore(%arg28 : memref<!tpu.dma_semaphore, #tpu.memory_space<semaphore_mem>>)
        %mul3A_145 = arith.constant 4 : i32
        %mul3A_146 = arith.muli %mul3A_145, %scan3A_91 : i32
        %add3A_147 = arith.constant 1 : i32
        %add3A_148 = arith.addi %mul3A_146, %add3A_147 : i32
        %dma_wait3A_149 = arith.constant 0 : i32
        %dma_wait3A_150 = arith.constant 0 : i32
        %dma_wait3A_151 = tpu.memref_slice %arg2[%dma_wait3A_149, %dma_wait3A_150] : memref<10000x128xf32, #tpu.memory_space<hbm>> -> memref<10000x128xf32, #tpu.memory_space<hbm>>
        tpu.wait_indirect_dma semaphore(%arg30 : memref<!tpu.dma_semaphore, #tpu.memory_space<semaphore_mem>>) src(%dma_wait3A_151 : memref<10000x128xf32, #tpu.memory_space<hbm>>) dst(%arg19 : memref<125x128xf32, #tpu.memory_space<vmem>>)
        %dma_wait3A_152 = arith.constant 1 : i32
        %dma_wait3A_153 = arith.constant 0 : i32
        %dma_wait3A_154 = tpu.memref_slice %arg3[%dma_wait3A_152, %arg1, %add3A_148, %dma_wait3A_153] : memref<2x16x160x125xi32, #tpu.memory_space<hbm>> -> memref<1x1x1x125xi32, #tpu.memory_space<hbm>>
        %dma_wait3A_155 = tpu.memref_squeeze %dma_wait3A_154 : memref<1x1x1x125xi32, #tpu.memory_space<hbm>> -> memref<125xi32, #tpu.memory_space<hbm>>
        %dma_wait3A_156 = arith.constant 0 : i32
        %dma_wait3A_157 = tpu.memref_slice %arg3[%dma_wait3A_152, %arg1, %add3A_148, %dma_wait3A_156] : memref<2x16x160x125xi32, #tpu.memory_space<hbm>> -> memref<1x1x1x125xi32, #tpu.memory_space<hbm>>
        %dma_wait3A_158 = tpu.memref_squeeze %dma_wait3A_157 : memref<1x1x1x125xi32, #tpu.memory_space<hbm>> -> memref<125xi32, #tpu.memory_space<hbm>>
        tpu.wait_dma2 semaphore(%arg26 : memref<!tpu.dma_semaphore, #tpu.memory_space<semaphore_mem>>) src(%dma_wait3A_158 : memref<125xi32, #tpu.memory_space<hbm>>) dst(%arg15 : memref<125xi32, #tpu.memory_space<vmem>>)
        %dma_start3A_159 = arith.constant 0 : i32
        %dma_start3A_160 = arith.constant 0 : i32
        %dma_start3A_161 = tpu.memref_slice %arg35[%dma_start3A_159, %dma_start3A_160] : memref<10000x128xf32, #tpu.memory_space<vmem_shared>> -> memref<10000x128xf32, #tpu.memory_space<vmem_shared>>
        tpu.enqueue_indirect_dma source(%arg19 : memref<125x128xf32, #tpu.memory_space<vmem>>) target(%dma_start3A_161 : memref<10000x128xf32, #tpu.memory_space<vmem_shared>>) offsets(%arg15 : memref<125xi32, #tpu.memory_space<vmem>>) semaphore(%arg32 : memref<!tpu.dma_semaphore, #tpu.memory_space<semaphore_mem>>) {add = true}
        %dma_start3A_162 = arith.constant 0 : i32
        %dma_start3A_163 = arith.constant 0 : i32
        %dma_start3A_164 = tpu.memref_slice %arg36[%dma_start3A_162, %dma_start3A_163] : memref<10000x8xf32, #tpu.memory_space<vmem_shared>> -> memref<10000x8xf32, #tpu.memory_space<vmem_shared>>
        tpu.enqueue_indirect_dma source(%arg20 : memref<125x8xf32, #tpu.memory_space<vmem>>) target(%dma_start3A_164 : memref<10000x8xf32, #tpu.memory_space<vmem_shared>>) offsets(%arg15 : memref<125xi32, #tpu.memory_space<vmem>>) semaphore(%arg34 : memref<!tpu.dma_semaphore, #tpu.memory_space<semaphore_mem>>) {add = true}
        %dma_wait3A_165 = arith.constant 0 : i32
        %dma_wait3A_166 = arith.constant 0 : i32
        %dma_wait3A_167 = tpu.memref_slice %arg35[%dma_wait3A_165, %dma_wait3A_166] : memref<10000x128xf32, #tpu.memory_space<vmem_shared>> -> memref<10000x128xf32, #tpu.memory_space<vmem_shared>>
        tpu.wait_indirect_dma semaphore(%arg31 : memref<!tpu.dma_semaphore, #tpu.memory_space<semaphore_mem>>) src(%arg18 : memref<125x128xf32, #tpu.memory_space<vmem>>) dst(%dma_wait3A_167 : memref<10000x128xf32, #tpu.memory_space<vmem_shared>>)
        %dma_wait3A_168 = arith.constant 0 : i32
        %dma_wait3A_169 = arith.constant 0 : i32
        %dma_wait3A_170 = tpu.memref_slice %arg36[%dma_wait3A_168, %dma_wait3A_169] : memref<10000x8xf32, #tpu.memory_space<vmem_shared>> -> memref<10000x8xf32, #tpu.memory_space<vmem_shared>>
        tpu.wait_indirect_dma semaphore(%arg33 : memref<!tpu.dma_semaphore, #tpu.memory_space<semaphore_mem>>) src(%arg20 : memref<125x8xf32, #tpu.memory_space<vmem>>) dst(%dma_wait3A_170 : memref<10000x8xf32, #tpu.memory_space<vmem_shared>>)
        %add3A_171 = arith.constant 1 : i32
        %add3A_172 = arith.addi %add3A_148, %add3A_171 : i32
        %dma_wait3A_173 = arith.constant 0 : i32
        %dma_wait3A_174 = arith.constant 0 : i32
        %dma_wait3A_175 = tpu.memref_slice %arg3[%dma_wait3A_173, %arg1, %add3A_172, %dma_wait3A_174] : memref<2x16x160x125xi32, #tpu.memory_space<hbm>> -> memref<1x1x1x125xi32, #tpu.memory_space<hbm>>
        %dma_wait3A_176 = tpu.memref_squeeze %dma_wait3A_175 : memref<1x1x1x125xi32, #tpu.memory_space<hbm>> -> memref<125xi32, #tpu.memory_space<hbm>>
        %dma_wait3A_177 = arith.constant 0 : i32
        %dma_wait3A_178 = tpu.memref_slice %arg3[%dma_wait3A_173, %arg1, %add3A_172, %dma_wait3A_177] : memref<2x16x160x125xi32, #tpu.memory_space<hbm>> -> memref<1x1x1x125xi32, #tpu.memory_space<hbm>>
        %dma_wait3A_179 = tpu.memref_squeeze %dma_wait3A_178 : memref<1x1x1x125xi32, #tpu.memory_space<hbm>> -> memref<125xi32, #tpu.memory_space<hbm>>
        tpu.wait_dma2 semaphore(%arg23 : memref<!tpu.dma_semaphore, #tpu.memory_space<semaphore_mem>>) src(%dma_wait3A_179 : memref<125xi32, #tpu.memory_space<hbm>>) dst(%arg12 : memref<125xi32, #tpu.memory_space<vmem>>)
        %dma_start3A_180 = arith.constant 0 : i32
        %dma_start3A_181 = arith.constant 0 : i32
        %dma_start3A_182 = tpu.memref_slice %arg2[%dma_start3A_180, %dma_start3A_181] : memref<10000x128xf32, #tpu.memory_space<hbm>> -> memref<10000x128xf32, #tpu.memory_space<hbm>>
        tpu.enqueue_indirect_dma source(%dma_start3A_182 : memref<10000x128xf32, #tpu.memory_space<hbm>>) target(%arg18 : memref<125x128xf32, #tpu.memory_space<vmem>>) offsets(%arg12 : memref<125xi32, #tpu.memory_space<vmem>>) semaphore(%arg29 : memref<!tpu.dma_semaphore, #tpu.memory_space<semaphore_mem>>)
        %lt3A = arith.constant 39 : i32
        %lt3A_183 = arith.cmpi slt, %scan3A_91, %lt3A : i32
        %convert_element_type3A_184 = arith.extui %lt3A_183 : i1 to i32
        %cond3A_185 = arith.constant 0 : i32
        %cond3A_186 = arith.cmpi ne, %convert_element_type3A_184, %cond3A_185 : i32
        scf.if %cond3A_186 {
          %add3A_260 = arith.constant 3 : i32
          %add3A_261 = arith.addi %add3A_148, %add3A_260 : i32
          %dma_start3A_262 = arith.constant 0 : i32
          %dma_start3A_263 = arith.constant 0 : i32
          %dma_start3A_264 = tpu.memref_slice %arg3[%dma_start3A_262, %arg1, %add3A_261, %dma_start3A_263] : memref<2x16x160x125xi32, #tpu.memory_space<hbm>> -> memref<1x1x1x125xi32, #tpu.memory_space<hbm>>
          %dma_start3A_265 = tpu.memref_squeeze %dma_start3A_264 : memref<1x1x1x125xi32, #tpu.memory_space<hbm>> -> memref<125xi32, #tpu.memory_space<hbm>>
          %dma_start3A_266 = arith.constant 0 : i32
          %dma_start3A_267 = tpu.memref_slice %arg3[%dma_start3A_262, %arg1, %add3A_261, %dma_start3A_266] : memref<2x16x160x125xi32, #tpu.memory_space<hbm>> -> memref<1x1x1x125xi32, #tpu.memory_space<hbm>>
          %dma_start3A_268 = tpu.memref_squeeze %dma_start3A_267 : memref<1x1x1x125xi32, #tpu.memory_space<hbm>> -> memref<125xi32, #tpu.memory_space<hbm>>
          tpu.enqueue_dma source(%dma_start3A_268 : memref<125xi32, #tpu.memory_space<hbm>>) target(%arg10 : memref<125xi32, #tpu.memory_space<vmem>>) target_semaphore(%arg21 : memref<!tpu.dma_semaphore, #tpu.memory_space<semaphore_mem>>)
          %add3A_269 = arith.constant 3 : i32
          %add3A_270 = arith.addi %add3A_148, %add3A_269 : i32
          %dma_start3A_271 = arith.constant 1 : i32
          %dma_start3A_272 = arith.constant 0 : i32
          %dma_start3A_273 = tpu.memref_slice %arg3[%dma_start3A_271, %arg1, %add3A_270, %dma_start3A_272] : memref<2x16x160x125xi32, #tpu.memory_space<hbm>> -> memref<1x1x1x125xi32, #tpu.memory_space<hbm>>
          %dma_start3A_274 = tpu.memref_squeeze %dma_start3A_273 : memref<1x1x1x125xi32, #tpu.memory_space<hbm>> -> memref<125xi32, #tpu.memory_space<hbm>>
          %dma_start3A_275 = arith.constant 0 : i32
          %dma_start3A_276 = tpu.memref_slice %arg3[%dma_start3A_271, %arg1, %add3A_270, %dma_start3A_275] : memref<2x16x160x125xi32, #tpu.memory_space<hbm>> -> memref<1x1x1x125xi32, #tpu.memory_space<hbm>>
          %dma_start3A_277 = tpu.memref_squeeze %dma_start3A_276 : memref<1x1x1x125xi32, #tpu.memory_space<hbm>> -> memref<125xi32, #tpu.memory_space<hbm>>
          tpu.enqueue_dma source(%dma_start3A_277 : memref<125xi32, #tpu.memory_space<hbm>>) target(%arg14 : memref<125xi32, #tpu.memory_space<vmem>>) target_semaphore(%arg25 : memref<!tpu.dma_semaphore, #tpu.memory_space<semaphore_mem>>)
        } else {
        }
        %mul3A_187 = arith.constant 4 : i32
        %mul3A_188 = arith.muli %mul3A_187, %scan3A_91 : i32
        %add3A_189 = arith.constant 2 : i32
        %add3A_190 = arith.addi %mul3A_188, %add3A_189 : i32
        %dma_wait3A_191 = arith.constant 0 : i32
        %dma_wait3A_192 = arith.constant 0 : i32
        %dma_wait3A_193 = tpu.memref_slice %arg2[%dma_wait3A_191, %dma_wait3A_192] : memref<10000x128xf32, #tpu.memory_space<hbm>> -> memref<10000x128xf32, #tpu.memory_space<hbm>>
        tpu.wait_indirect_dma semaphore(%arg29 : memref<!tpu.dma_semaphore, #tpu.memory_space<semaphore_mem>>) src(%dma_wait3A_193 : memref<10000x128xf32, #tpu.memory_space<hbm>>) dst(%arg18 : memref<125x128xf32, #tpu.memory_space<vmem>>)
        %dma_wait3A_194 = arith.constant 1 : i32
        %dma_wait3A_195 = arith.constant 0 : i32
        %dma_wait3A_196 = tpu.memref_slice %arg3[%dma_wait3A_194, %arg1, %add3A_190, %dma_wait3A_195] : memref<2x16x160x125xi32, #tpu.memory_space<hbm>> -> memref<1x1x1x125xi32, #tpu.memory_space<hbm>>
        %dma_wait3A_197 = tpu.memref_squeeze %dma_wait3A_196 : memref<1x1x1x125xi32, #tpu.memory_space<hbm>> -> memref<125xi32, #tpu.memory_space<hbm>>
        %dma_wait3A_198 = arith.constant 0 : i32
        %dma_wait3A_199 = tpu.memref_slice %arg3[%dma_wait3A_194, %arg1, %add3A_190, %dma_wait3A_198] : memref<2x16x160x125xi32, #tpu.memory_space<hbm>> -> memref<1x1x1x125xi32, #tpu.memory_space<hbm>>
        %dma_wait3A_200 = tpu.memref_squeeze %dma_wait3A_199 : memref<1x1x1x125xi32, #tpu.memory_space<hbm>> -> memref<125xi32, #tpu.memory_space<hbm>>
        tpu.wait_dma2 semaphore(%arg27 : memref<!tpu.dma_semaphore, #tpu.memory_space<semaphore_mem>>) src(%dma_wait3A_200 : memref<125xi32, #tpu.memory_space<hbm>>) dst(%arg16 : memref<125xi32, #tpu.memory_space<vmem>>)
        %dma_start3A_201 = arith.constant 0 : i32
        %dma_start3A_202 = arith.constant 0 : i32
        %dma_start3A_203 = tpu.memref_slice %arg35[%dma_start3A_201, %dma_start3A_202] : memref<10000x128xf32, #tpu.memory_space<vmem_shared>> -> memref<10000x128xf32, #tpu.memory_space<vmem_shared>>
        tpu.enqueue_indirect_dma source(%arg18 : memref<125x128xf32, #tpu.memory_space<vmem>>) target(%dma_start3A_203 : memref<10000x128xf32, #tpu.memory_space<vmem_shared>>) offsets(%arg16 : memref<125xi32, #tpu.memory_space<vmem>>) semaphore(%arg31 : memref<!tpu.dma_semaphore, #tpu.memory_space<semaphore_mem>>) {add = true}
        %dma_start3A_204 = arith.constant 0 : i32
        %dma_start3A_205 = arith.constant 0 : i32
        %dma_start3A_206 = tpu.memref_slice %arg36[%dma_start3A_204, %dma_start3A_205] : memref<10000x8xf32, #tpu.memory_space<vmem_shared>> -> memref<10000x8xf32, #tpu.memory_space<vmem_shared>>
        tpu.enqueue_indirect_dma source(%arg20 : memref<125x8xf32, #tpu.memory_space<vmem>>) target(%dma_start3A_206 : memref<10000x8xf32, #tpu.memory_space<vmem_shared>>) offsets(%arg16 : memref<125xi32, #tpu.memory_space<vmem>>) semaphore(%arg33 : memref<!tpu.dma_semaphore, #tpu.memory_space<semaphore_mem>>) {add = true}
        %dma_wait3A_207 = arith.constant 0 : i32
        %dma_wait3A_208 = arith.constant 0 : i32
        %dma_wait3A_209 = tpu.memref_slice %arg35[%dma_wait3A_207, %dma_wait3A_208] : memref<10000x128xf32, #tpu.memory_space<vmem_shared>> -> memref<10000x128xf32, #tpu.memory_space<vmem_shared>>
        tpu.wait_indirect_dma semaphore(%arg32 : memref<!tpu.dma_semaphore, #tpu.memory_space<semaphore_mem>>) src(%arg19 : memref<125x128xf32, #tpu.memory_space<vmem>>) dst(%dma_wait3A_209 : memref<10000x128xf32, #tpu.memory_space<vmem_shared>>)
        %dma_wait3A_210 = arith.constant 0 : i32
        %dma_wait3A_211 = arith.constant 0 : i32
        %dma_wait3A_212 = tpu.memref_slice %arg36[%dma_wait3A_210, %dma_wait3A_211] : memref<10000x8xf32, #tpu.memory_space<vmem_shared>> -> memref<10000x8xf32, #tpu.memory_space<vmem_shared>>
        tpu.wait_indirect_dma semaphore(%arg34 : memref<!tpu.dma_semaphore, #tpu.memory_space<semaphore_mem>>) src(%arg20 : memref<125x8xf32, #tpu.memory_space<vmem>>) dst(%dma_wait3A_212 : memref<10000x8xf32, #tpu.memory_space<vmem_shared>>)
        %add3A_213 = arith.constant 1 : i32
        %add3A_214 = arith.addi %add3A_190, %add3A_213 : i32
        %dma_wait3A_215 = arith.constant 0 : i32
        %dma_wait3A_216 = arith.constant 0 : i32
        %dma_wait3A_217 = tpu.memref_slice %arg3[%dma_wait3A_215, %arg1, %add3A_214, %dma_wait3A_216] : memref<2x16x160x125xi32, #tpu.memory_space<hbm>> -> memref<1x1x1x125xi32, #tpu.memory_space<hbm>>
        %dma_wait3A_218 = tpu.memref_squeeze %dma_wait3A_217 : memref<1x1x1x125xi32, #tpu.memory_space<hbm>> -> memref<125xi32, #tpu.memory_space<hbm>>
        %dma_wait3A_219 = arith.constant 0 : i32
        %dma_wait3A_220 = tpu.memref_slice %arg3[%dma_wait3A_215, %arg1, %add3A_214, %dma_wait3A_219] : memref<2x16x160x125xi32, #tpu.memory_space<hbm>> -> memref<1x1x1x125xi32, #tpu.memory_space<hbm>>
        %dma_wait3A_221 = tpu.memref_squeeze %dma_wait3A_220 : memref<1x1x1x125xi32, #tpu.memory_space<hbm>> -> memref<125xi32, #tpu.memory_space<hbm>>
        tpu.wait_dma2 semaphore(%arg24 : memref<!tpu.dma_semaphore, #tpu.memory_space<semaphore_mem>>) src(%dma_wait3A_221 : memref<125xi32, #tpu.memory_space<hbm>>) dst(%arg13 : memref<125xi32, #tpu.memory_space<vmem>>)
        %dma_start3A_222 = arith.constant 0 : i32
        %dma_start3A_223 = arith.constant 0 : i32
        %dma_start3A_224 = tpu.memref_slice %arg2[%dma_start3A_222, %dma_start3A_223] : memref<10000x128xf32, #tpu.memory_space<hbm>> -> memref<10000x128xf32, #tpu.memory_space<hbm>>
        tpu.enqueue_indirect_dma source(%dma_start3A_224 : memref<10000x128xf32, #tpu.memory_space<hbm>>) target(%arg19 : memref<125x128xf32, #tpu.memory_space<vmem>>) offsets(%arg13 : memref<125xi32, #tpu.memory_space<vmem>>) semaphore(%arg30 : memref<!tpu.dma_semaphore, #tpu.memory_space<semaphore_mem>>)
        %lt3A_225 = arith.constant 39 : i32
        %lt3A_226 = arith.cmpi slt, %scan3A_91, %lt3A_225 : i32
        %convert_element_type3A_227 = arith.extui %lt3A_226 : i1 to i32
        %cond3A_228 = arith.constant 0 : i32
        %cond3A_229 = arith.cmpi ne, %convert_element_type3A_227, %cond3A_228 : i32
        scf.if %cond3A_229 {
          %add3A_260 = arith.constant 3 : i32
          %add3A_261 = arith.addi %add3A_190, %add3A_260 : i32
          %dma_start3A_262 = arith.constant 0 : i32
          %dma_start3A_263 = arith.constant 0 : i32
          %dma_start3A_264 = tpu.memref_slice %arg3[%dma_start3A_262, %arg1, %add3A_261, %dma_start3A_263] : memref<2x16x160x125xi32, #tpu.memory_space<hbm>> -> memref<1x1x1x125xi32, #tpu.memory_space<hbm>>
          %dma_start3A_265 = tpu.memref_squeeze %dma_start3A_264 : memref<1x1x1x125xi32, #tpu.memory_space<hbm>> -> memref<125xi32, #tpu.memory_space<hbm>>
          %dma_start3A_266 = arith.constant 0 : i32
          %dma_start3A_267 = tpu.memref_slice %arg3[%dma_start3A_262, %arg1, %add3A_261, %dma_start3A_266] : memref<2x16x160x125xi32, #tpu.memory_space<hbm>> -> memref<1x1x1x125xi32, #tpu.memory_space<hbm>>
          %dma_start3A_268 = tpu.memref_squeeze %dma_start3A_267 : memref<1x1x1x125xi32, #tpu.memory_space<hbm>> -> memref<125xi32, #tpu.memory_space<hbm>>
          tpu.enqueue_dma source(%dma_start3A_268 : memref<125xi32, #tpu.memory_space<hbm>>) target(%arg11 : memref<125xi32, #tpu.memory_space<vmem>>) target_semaphore(%arg22 : memref<!tpu.dma_semaphore, #tpu.memory_space<semaphore_mem>>)
          %add3A_269 = arith.constant 3 : i32
          %add3A_270 = arith.addi %add3A_190, %add3A_269 : i32
          %dma_start3A_271 = arith.constant 1 : i32
          %dma_start3A_272 = arith.constant 0 : i32
          %dma_start3A_273 = tpu.memref_slice %arg3[%dma_start3A_271, %arg1, %add3A_270, %dma_start3A_272] : memref<2x16x160x125xi32, #tpu.memory_space<hbm>> -> memref<1x1x1x125xi32, #tpu.memory_space<hbm>>
          %dma_start3A_274 = tpu.memref_squeeze %dma_start3A_273 : memref<1x1x1x125xi32, #tpu.memory_space<hbm>> -> memref<125xi32, #tpu.memory_space<hbm>>
          %dma_start3A_275 = arith.constant 0 : i32
          %dma_start3A_276 = tpu.memref_slice %arg3[%dma_start3A_271, %arg1, %add3A_270, %dma_start3A_275] : memref<2x16x160x125xi32, #tpu.memory_space<hbm>> -> memref<1x1x1x125xi32, #tpu.memory_space<hbm>>
          %dma_start3A_277 = tpu.memref_squeeze %dma_start3A_276 : memref<1x1x1x125xi32, #tpu.memory_space<hbm>> -> memref<125xi32, #tpu.memory_space<hbm>>
          tpu.enqueue_dma source(%dma_start3A_277 : memref<125xi32, #tpu.memory_space<hbm>>) target(%arg15 : memref<125xi32, #tpu.memory_space<vmem>>) target_semaphore(%arg26 : memref<!tpu.dma_semaphore, #tpu.memory_space<semaphore_mem>>)
        } else {
        }
        %mul3A_230 = arith.constant 4 : i32
        %mul3A_231 = arith.muli %mul3A_230, %scan3A_91 : i32
        %add3A_232 = arith.constant 3 : i32
        %add3A_233 = arith.addi %mul3A_231, %add3A_232 : i32
        %dma_wait3A_234 = arith.constant 0 : i32
        %dma_wait3A_235 = arith.constant 0 : i32
        %dma_wait3A_236 = tpu.memref_slice %arg2[%dma_wait3A_234, %dma_wait3A_235] : memref<10000x128xf32, #tpu.memory_space<hbm>> -> memref<10000x128xf32, #tpu.memory_space<hbm>>
        tpu.wait_indirect_dma semaphore(%arg30 : memref<!tpu.dma_semaphore, #tpu.memory_space<semaphore_mem>>) src(%dma_wait3A_236 : memref<10000x128xf32, #tpu.memory_space<hbm>>) dst(%arg19 : memref<125x128xf32, #tpu.memory_space<vmem>>)
        %dma_wait3A_237 = arith.constant 1 : i32
        %dma_wait3A_238 = arith.constant 0 : i32
        %dma_wait3A_239 = tpu.memref_slice %arg3[%dma_wait3A_237, %arg1, %add3A_233, %dma_wait3A_238] : memref<2x16x160x125xi32, #tpu.memory_space<hbm>> -> memref<1x1x1x125xi32, #tpu.memory_space<hbm>>
        %dma_wait3A_240 = tpu.memref_squeeze %dma_wait3A_239 : memref<1x1x1x125xi32, #tpu.memory_space<hbm>> -> memref<125xi32, #tpu.memory_space<hbm>>
        %dma_wait3A_241 = arith.constant 0 : i32
        %dma_wait3A_242 = tpu.memref_slice %arg3[%dma_wait3A_237, %arg1, %add3A_233, %dma_wait3A_241] : memref<2x16x160x125xi32, #tpu.memory_space<hbm>> -> memref<1x1x1x125xi32, #tpu.memory_space<hbm>>
        %dma_wait3A_243 = tpu.memref_squeeze %dma_wait3A_242 : memref<1x1x1x125xi32, #tpu.memory_space<hbm>> -> memref<125xi32, #tpu.memory_space<hbm>>
        tpu.wait_dma2 semaphore(%arg28 : memref<!tpu.dma_semaphore, #tpu.memory_space<semaphore_mem>>) src(%dma_wait3A_243 : memref<125xi32, #tpu.memory_space<hbm>>) dst(%arg17 : memref<125xi32, #tpu.memory_space<vmem>>)
        %dma_start3A_244 = arith.constant 0 : i32
        %dma_start3A_245 = arith.constant 0 : i32
        %dma_start3A_246 = tpu.memref_slice %arg35[%dma_start3A_244, %dma_start3A_245] : memref<10000x128xf32, #tpu.memory_space<vmem_shared>> -> memref<10000x128xf32, #tpu.memory_space<vmem_shared>>
        tpu.enqueue_indirect_dma source(%arg19 : memref<125x128xf32, #tpu.memory_space<vmem>>) target(%dma_start3A_246 : memref<10000x128xf32, #tpu.memory_space<vmem_shared>>) offsets(%arg17 : memref<125xi32, #tpu.memory_space<vmem>>) semaphore(%arg32 : memref<!tpu.dma_semaphore, #tpu.memory_space<semaphore_mem>>) {add = true}
        %dma_start3A_247 = arith.constant 0 : i32
        %dma_start3A_248 = arith.constant 0 : i32
        %dma_start3A_249 = tpu.memref_slice %arg36[%dma_start3A_247, %dma_start3A_248] : memref<10000x8xf32, #tpu.memory_space<vmem_shared>> -> memref<10000x8xf32, #tpu.memory_space<vmem_shared>>
        tpu.enqueue_indirect_dma source(%arg20 : memref<125x8xf32, #tpu.memory_space<vmem>>) target(%dma_start3A_249 : memref<10000x8xf32, #tpu.memory_space<vmem_shared>>) offsets(%arg17 : memref<125xi32, #tpu.memory_space<vmem>>) semaphore(%arg34 : memref<!tpu.dma_semaphore, #tpu.memory_space<semaphore_mem>>) {add = true}
        %lt3A_250 = arith.constant 39 : i32
        %lt3A_251 = arith.cmpi slt, %scan3A_91, %lt3A_250 : i32
        %convert_element_type3A_252 = arith.extui %lt3A_251 : i1 to i32
        %cond3A_253 = arith.constant 0 : i32
        %cond3A_254 = arith.cmpi ne, %convert_element_type3A_252, %cond3A_253 : i32
        scf.if %cond3A_254 {
          %dma_wait3A_260 = arith.constant 0 : i32
          %dma_wait3A_261 = arith.constant 0 : i32
          %dma_wait3A_262 = tpu.memref_slice %arg35[%dma_wait3A_260, %dma_wait3A_261] : memref<10000x128xf32, #tpu.memory_space<vmem_shared>> -> memref<10000x128xf32, #tpu.memory_space<vmem_shared>>
          tpu.wait_indirect_dma semaphore(%arg31 : memref<!tpu.dma_semaphore, #tpu.memory_space<semaphore_mem>>) src(%arg18 : memref<125x128xf32, #tpu.memory_space<vmem>>) dst(%dma_wait3A_262 : memref<10000x128xf32, #tpu.memory_space<vmem_shared>>)
          %dma_wait3A_263 = arith.constant 0 : i32
          %dma_wait3A_264 = arith.constant 0 : i32
          %dma_wait3A_265 = tpu.memref_slice %arg36[%dma_wait3A_263, %dma_wait3A_264] : memref<10000x8xf32, #tpu.memory_space<vmem_shared>> -> memref<10000x8xf32, #tpu.memory_space<vmem_shared>>
          tpu.wait_indirect_dma semaphore(%arg33 : memref<!tpu.dma_semaphore, #tpu.memory_space<semaphore_mem>>) src(%arg20 : memref<125x8xf32, #tpu.memory_space<vmem>>) dst(%dma_wait3A_265 : memref<10000x8xf32, #tpu.memory_space<vmem_shared>>)
          %add3A_266 = arith.constant 1 : i32
          %add3A_267 = arith.addi %add3A_233, %add3A_266 : i32
          %dma_wait3A_268 = arith.constant 0 : i32
          %dma_wait3A_269 = arith.constant 0 : i32
          %dma_wait3A_270 = tpu.memref_slice %arg3[%dma_wait3A_268, %arg1, %add3A_267, %dma_wait3A_269] : memref<2x16x160x125xi32, #tpu.memory_space<hbm>> -> memref<1x1x1x125xi32, #tpu.memory_space<hbm>>
          %dma_wait3A_271 = tpu.memref_squeeze %dma_wait3A_270 : memref<1x1x1x125xi32, #tpu.memory_space<hbm>> -> memref<125xi32, #tpu.memory_space<hbm>>
          %dma_wait3A_272 = arith.constant 0 : i32
          %dma_wait3A_273 = tpu.memref_slice %arg3[%dma_wait3A_268, %arg1, %add3A_267, %dma_wait3A_272] : memref<2x16x160x125xi32, #tpu.memory_space<hbm>> -> memref<1x1x1x125xi32, #tpu.memory_space<hbm>>
          %dma_wait3A_274 = tpu.memref_squeeze %dma_wait3A_273 : memref<1x1x1x125xi32, #tpu.memory_space<hbm>> -> memref<125xi32, #tpu.memory_space<hbm>>
          tpu.wait_dma2 semaphore(%arg21 : memref<!tpu.dma_semaphore, #tpu.memory_space<semaphore_mem>>) src(%dma_wait3A_274 : memref<125xi32, #tpu.memory_space<hbm>>) dst(%arg10 : memref<125xi32, #tpu.memory_space<vmem>>)
          %dma_start3A_275 = arith.constant 0 : i32
          %dma_start3A_276 = arith.constant 0 : i32
          %dma_start3A_277 = tpu.memref_slice %arg2[%dma_start3A_275, %dma_start3A_276] : memref<10000x128xf32, #tpu.memory_space<hbm>> -> memref<10000x128xf32, #tpu.memory_space<hbm>>
          tpu.enqueue_indirect_dma source(%dma_start3A_277 : memref<10000x128xf32, #tpu.memory_space<hbm>>) target(%arg18 : memref<125x128xf32, #tpu.memory_space<vmem>>) offsets(%arg10 : memref<125xi32, #tpu.memory_space<vmem>>) semaphore(%arg29 : memref<!tpu.dma_semaphore, #tpu.memory_space<semaphore_mem>>)
        } else {
        }
        %lt3A_255 = arith.constant 39 : i32
        %lt3A_256 = arith.cmpi slt, %scan3A_91, %lt3A_255 : i32
        %convert_element_type3A_257 = arith.extui %lt3A_256 : i1 to i32
        %cond3A_258 = arith.constant 0 : i32
        %cond3A_259 = arith.cmpi ne, %convert_element_type3A_257, %cond3A_258 : i32
        scf.if %cond3A_259 {
          %add3A_260 = arith.constant 3 : i32
          %add3A_261 = arith.addi %add3A_233, %add3A_260 : i32
          %dma_start3A_262 = arith.constant 0 : i32
          %dma_start3A_263 = arith.constant 0 : i32
          %dma_start3A_264 = tpu.memref_slice %arg3[%dma_start3A_262, %arg1, %add3A_261, %dma_start3A_263] : memref<2x16x160x125xi32, #tpu.memory_space<hbm>> -> memref<1x1x1x125xi32, #tpu.memory_space<hbm>>
          %dma_start3A_265 = tpu.memref_squeeze %dma_start3A_264 : memref<1x1x1x125xi32, #tpu.memory_space<hbm>> -> memref<125xi32, #tpu.memory_space<hbm>>
          %dma_start3A_266 = arith.constant 0 : i32
          %dma_start3A_267 = tpu.memref_slice %arg3[%dma_start3A_262, %arg1, %add3A_261, %dma_start3A_266] : memref<2x16x160x125xi32, #tpu.memory_space<hbm>> -> memref<1x1x1x125xi32, #tpu.memory_space<hbm>>
          %dma_start3A_268 = tpu.memref_squeeze %dma_start3A_267 : memref<1x1x1x125xi32, #tpu.memory_space<hbm>> -> memref<125xi32, #tpu.memory_space<hbm>>
          tpu.enqueue_dma source(%dma_start3A_268 : memref<125xi32, #tpu.memory_space<hbm>>) target(%arg12 : memref<125xi32, #tpu.memory_space<vmem>>) target_semaphore(%arg23 : memref<!tpu.dma_semaphore, #tpu.memory_space<semaphore_mem>>)
          %add3A_269 = arith.constant 3 : i32
          %add3A_270 = arith.addi %add3A_233, %add3A_269 : i32
          %dma_start3A_271 = arith.constant 1 : i32
          %dma_start3A_272 = arith.constant 0 : i32
          %dma_start3A_273 = tpu.memref_slice %arg3[%dma_start3A_271, %arg1, %add3A_270, %dma_start3A_272] : memref<2x16x160x125xi32, #tpu.memory_space<hbm>> -> memref<1x1x1x125xi32, #tpu.memory_space<hbm>>
          %dma_start3A_274 = tpu.memref_squeeze %dma_start3A_273 : memref<1x1x1x125xi32, #tpu.memory_space<hbm>> -> memref<125xi32, #tpu.memory_space<hbm>>
          %dma_start3A_275 = arith.constant 0 : i32
          %dma_start3A_276 = tpu.memref_slice %arg3[%dma_start3A_271, %arg1, %add3A_270, %dma_start3A_275] : memref<2x16x160x125xi32, #tpu.memory_space<hbm>> -> memref<1x1x1x125xi32, #tpu.memory_space<hbm>>
          %dma_start3A_277 = tpu.memref_squeeze %dma_start3A_276 : memref<1x1x1x125xi32, #tpu.memory_space<hbm>> -> memref<125xi32, #tpu.memory_space<hbm>>
          tpu.enqueue_dma source(%dma_start3A_277 : memref<125xi32, #tpu.memory_space<hbm>>) target(%arg16 : memref<125xi32, #tpu.memory_space<vmem>>) target_semaphore(%arg27 : memref<!tpu.dma_semaphore, #tpu.memory_space<semaphore_mem>>)
        } else {
        }
      }
      %scan3A_78 = arith.constant 40 : i32
      %dma_wait3A_79 = arith.constant 0 : i32
      %dma_wait3A_80 = arith.constant 0 : i32
      %dma_wait3A_81 = tpu.memref_slice %arg35[%dma_wait3A_79, %dma_wait3A_80] : memref<10000x128xf32, #tpu.memory_space<vmem_shared>> -> memref<10000x128xf32, #tpu.memory_space<vmem_shared>>
      tpu.wait_indirect_dma semaphore(%arg31 : memref<!tpu.dma_semaphore, #tpu.memory_space<semaphore_mem>>) src(%arg18 : memref<125x128xf32, #tpu.memory_space<vmem>>) dst(%dma_wait3A_81 : memref<10000x128xf32, #tpu.memory_space<vmem_shared>>)
      %dma_wait3A_82 = arith.constant 0 : i32
      %dma_wait3A_83 = arith.constant 0 : i32
      %dma_wait3A_84 = tpu.memref_slice %arg36[%dma_wait3A_82, %dma_wait3A_83] : memref<10000x8xf32, #tpu.memory_space<vmem_shared>> -> memref<10000x8xf32, #tpu.memory_space<vmem_shared>>
      tpu.wait_indirect_dma semaphore(%arg33 : memref<!tpu.dma_semaphore, #tpu.memory_space<semaphore_mem>>) src(%arg20 : memref<125x8xf32, #tpu.memory_space<vmem>>) dst(%dma_wait3A_84 : memref<10000x8xf32, #tpu.memory_space<vmem_shared>>)
      %dma_wait3A_85 = arith.constant 0 : i32
      %dma_wait3A_86 = arith.constant 0 : i32
      %dma_wait3A_87 = tpu.memref_slice %arg35[%dma_wait3A_85, %dma_wait3A_86] : memref<10000x128xf32, #tpu.memory_space<vmem_shared>> -> memref<10000x128xf32, #tpu.memory_space<vmem_shared>>
      tpu.wait_indirect_dma semaphore(%arg32 : memref<!tpu.dma_semaphore, #tpu.memory_space<semaphore_mem>>) src(%arg19 : memref<125x128xf32, #tpu.memory_space<vmem>>) dst(%dma_wait3A_87 : memref<10000x128xf32, #tpu.memory_space<vmem_shared>>)
      %dma_wait3A_88 = arith.constant 0 : i32
      %dma_wait3A_89 = arith.constant 0 : i32
      %dma_wait3A_90 = tpu.memref_slice %arg36[%dma_wait3A_88, %dma_wait3A_89] : memref<10000x8xf32, #tpu.memory_space<vmem_shared>> -> memref<10000x8xf32, #tpu.memory_space<vmem_shared>>
      tpu.wait_indirect_dma semaphore(%arg34 : memref<!tpu.dma_semaphore, #tpu.memory_space<semaphore_mem>>) src(%arg20 : memref<125x8xf32, #tpu.memory_space<vmem>>) dst(%dma_wait3A_90 : memref<10000x8xf32, #tpu.memory_space<vmem_shared>>)
    } else {
    }
    %eq3A_6 = arith.constant 1 : i32
    %eq3A_7 = arith.cmpi eq, %arg0, %eq3A_6 : i32
    %convert_element_type3A_8 = arith.extui %eq3A_7 : i1 to i32
    %cond3A_9 = arith.constant 0 : i32
    %cond3A_10 = arith.cmpi ne, %convert_element_type3A_8, %cond3A_9 : i32
    scf.if %cond3A_10 {
      %dma_start3A_11 = arith.constant 0 : i32
      %dma_start3A_12 = arith.constant 0 : i32
      %dma_start3A_13 = arith.constant 0 : i32
      %dma_start3A_14 = tpu.memref_slice %arg4[%dma_start3A_11, %arg1, %dma_start3A_12, %dma_start3A_13] : memref<2x16x160x125xi32, #tpu.memory_space<hbm>> -> memref<1x1x1x125xi32, #tpu.memory_space<hbm>>
      %dma_start3A_15 = tpu.memref_squeeze %dma_start3A_14 : memref<1x1x1x125xi32, #tpu.memory_space<hbm>> -> memref<125xi32, #tpu.memory_space<hbm>>
      %dma_start3A_16 = arith.constant 0 : i32
      %dma_start3A_17 = tpu.memref_slice %arg4[%dma_start3A_11, %arg1, %dma_start3A_12, %dma_start3A_16] : memref<2x16x160x125xi32, #tpu.memory_space<hbm>> -> memref<1x1x1x125xi32, #tpu.memory_space<hbm>>
      %dma_start3A_18 = tpu.memref_squeeze %dma_start3A_17 : memref<1x1x1x125xi32, #tpu.memory_space<hbm>> -> memref<125xi32, #tpu.memory_space<hbm>>
      tpu.enqueue_dma source(%dma_start3A_18 : memref<125xi32, #tpu.memory_space<hbm>>) target(%arg10 : memref<125xi32, #tpu.memory_space<vmem>>) target_semaphore(%arg21 : memref<!tpu.dma_semaphore, #tpu.memory_space<semaphore_mem>>)
      %dma_start3A_19 = arith.constant 1 : i32
      %dma_start3A_20 = arith.constant 0 : i32
      %dma_start3A_21 = arith.constant 0 : i32
      %dma_start3A_22 = tpu.memref_slice %arg4[%dma_start3A_19, %arg1, %dma_start3A_20, %dma_start3A_21] : memref<2x16x160x125xi32, #tpu.memory_space<hbm>> -> memref<1x1x1x125xi32, #tpu.memory_space<hbm>>
      %dma_start3A_23 = tpu.memref_squeeze %dma_start3A_22 : memref<1x1x1x125xi32, #tpu.memory_space<hbm>> -> memref<125xi32, #tpu.memory_space<hbm>>
      %dma_start3A_24 = arith.constant 0 : i32
      %dma_start3A_25 = tpu.memref_slice %arg4[%dma_start3A_19, %arg1, %dma_start3A_20, %dma_start3A_24] : memref<2x16x160x125xi32, #tpu.memory_space<hbm>> -> memref<1x1x1x125xi32, #tpu.memory_space<hbm>>
      %dma_start3A_26 = tpu.memref_squeeze %dma_start3A_25 : memref<1x1x1x125xi32, #tpu.memory_space<hbm>> -> memref<125xi32, #tpu.memory_space<hbm>>
      tpu.enqueue_dma source(%dma_start3A_26 : memref<125xi32, #tpu.memory_space<hbm>>) target(%arg14 : memref<125xi32, #tpu.memory_space<vmem>>) target_semaphore(%arg25 : memref<!tpu.dma_semaphore, #tpu.memory_space<semaphore_mem>>)
      %dma_start3A_27 = arith.constant 0 : i32
      %dma_start3A_28 = arith.constant 1 : i32
      %dma_start3A_29 = arith.constant 0 : i32
      %dma_start3A_30 = tpu.memref_slice %arg4[%dma_start3A_27, %arg1, %dma_start3A_28, %dma_start3A_29] : memref<2x16x160x125xi32, #tpu.memory_space<hbm>> -> memref<1x1x1x125xi32, #tpu.memory_space<hbm>>
      %dma_start3A_31 = tpu.memref_squeeze %dma_start3A_30 : memref<1x1x1x125xi32, #tpu.memory_space<hbm>> -> memref<125xi32, #tpu.memory_space<hbm>>
      %dma_start3A_32 = arith.constant 0 : i32
      %dma_start3A_33 = tpu.memref_slice %arg4[%dma_start3A_27, %arg1, %dma_start3A_28, %dma_start3A_32] : memref<2x16x160x125xi32, #tpu.memory_space<hbm>> -> memref<1x1x1x125xi32, #tpu.memory_space<hbm>>
      %dma_start3A_34 = tpu.memref_squeeze %dma_start3A_33 : memref<1x1x1x125xi32, #tpu.memory_space<hbm>> -> memref<125xi32, #tpu.memory_space<hbm>>
      tpu.enqueue_dma source(%dma_start3A_34 : memref<125xi32, #tpu.memory_space<hbm>>) target(%arg11 : memref<125xi32, #tpu.memory_space<vmem>>) target_semaphore(%arg22 : memref<!tpu.dma_semaphore, #tpu.memory_space<semaphore_mem>>)
      %dma_start3A_35 = arith.constant 1 : i32
      %dma_start3A_36 = arith.constant 1 : i32
      %dma_start3A_37 = arith.constant 0 : i32
      %dma_start3A_38 = tpu.memref_slice %arg4[%dma_start3A_35, %arg1, %dma_start3A_36, %dma_start3A_37] : memref<2x16x160x125xi32, #tpu.memory_space<hbm>> -> memref<1x1x1x125xi32, #tpu.memory_space<hbm>>
      %dma_start3A_39 = tpu.memref_squeeze %dma_start3A_38 : memref<1x1x1x125xi32, #tpu.memory_space<hbm>> -> memref<125xi32, #tpu.memory_space<hbm>>
      %dma_start3A_40 = arith.constant 0 : i32
      %dma_start3A_41 = tpu.memref_slice %arg4[%dma_start3A_35, %arg1, %dma_start3A_36, %dma_start3A_40] : memref<2x16x160x125xi32, #tpu.memory_space<hbm>> -> memref<1x1x1x125xi32, #tpu.memory_space<hbm>>
      %dma_start3A_42 = tpu.memref_squeeze %dma_start3A_41 : memref<1x1x1x125xi32, #tpu.memory_space<hbm>> -> memref<125xi32, #tpu.memory_space<hbm>>
      tpu.enqueue_dma source(%dma_start3A_42 : memref<125xi32, #tpu.memory_space<hbm>>) target(%arg15 : memref<125xi32, #tpu.memory_space<vmem>>) target_semaphore(%arg26 : memref<!tpu.dma_semaphore, #tpu.memory_space<semaphore_mem>>)
      %dma_start3A_43 = arith.constant 0 : i32
      %dma_start3A_44 = arith.constant 2 : i32
      %dma_start3A_45 = arith.constant 0 : i32
      %dma_start3A_46 = tpu.memref_slice %arg4[%dma_start3A_43, %arg1, %dma_start3A_44, %dma_start3A_45] : memref<2x16x160x125xi32, #tpu.memory_space<hbm>> -> memref<1x1x1x125xi32, #tpu.memory_space<hbm>>
      %dma_start3A_47 = tpu.memref_squeeze %dma_start3A_46 : memref<1x1x1x125xi32, #tpu.memory_space<hbm>> -> memref<125xi32, #tpu.memory_space<hbm>>
      %dma_start3A_48 = arith.constant 0 : i32
      %dma_start3A_49 = tpu.memref_slice %arg4[%dma_start3A_43, %arg1, %dma_start3A_44, %dma_start3A_48] : memref<2x16x160x125xi32, #tpu.memory_space<hbm>> -> memref<1x1x1x125xi32, #tpu.memory_space<hbm>>
      %dma_start3A_50 = tpu.memref_squeeze %dma_start3A_49 : memref<1x1x1x125xi32, #tpu.memory_space<hbm>> -> memref<125xi32, #tpu.memory_space<hbm>>
      tpu.enqueue_dma source(%dma_start3A_50 : memref<125xi32, #tpu.memory_space<hbm>>) target(%arg12 : memref<125xi32, #tpu.memory_space<vmem>>) target_semaphore(%arg23 : memref<!tpu.dma_semaphore, #tpu.memory_space<semaphore_mem>>)
      %dma_start3A_51 = arith.constant 1 : i32
      %dma_start3A_52 = arith.constant 2 : i32
      %dma_start3A_53 = arith.constant 0 : i32
      %dma_start3A_54 = tpu.memref_slice %arg4[%dma_start3A_51, %arg1, %dma_start3A_52, %dma_start3A_53] : memref<2x16x160x125xi32, #tpu.memory_space<hbm>> -> memref<1x1x1x125xi32, #tpu.memory_space<hbm>>
      %dma_start3A_55 = tpu.memref_squeeze %dma_start3A_54 : memref<1x1x1x125xi32, #tpu.memory_space<hbm>> -> memref<125xi32, #tpu.memory_space<hbm>>
      %dma_start3A_56 = arith.constant 0 : i32
      %dma_start3A_57 = tpu.memref_slice %arg4[%dma_start3A_51, %arg1, %dma_start3A_52, %dma_start3A_56] : memref<2x16x160x125xi32, #tpu.memory_space<hbm>> -> memref<1x1x1x125xi32, #tpu.memory_space<hbm>>
      %dma_start3A_58 = tpu.memref_squeeze %dma_start3A_57 : memref<1x1x1x125xi32, #tpu.memory_space<hbm>> -> memref<125xi32, #tpu.memory_space<hbm>>
      tpu.enqueue_dma source(%dma_start3A_58 : memref<125xi32, #tpu.memory_space<hbm>>) target(%arg16 : memref<125xi32, #tpu.memory_space<vmem>>) target_semaphore(%arg27 : memref<!tpu.dma_semaphore, #tpu.memory_space<semaphore_mem>>)
      %dma_wait3A = arith.constant 0 : i32
      %dma_wait3A_59 = arith.constant 0 : i32
      %dma_wait3A_60 = arith.constant 0 : i32
      %dma_wait3A_61 = tpu.memref_slice %arg4[%dma_wait3A, %arg1, %dma_wait3A_59, %dma_wait3A_60] : memref<2x16x160x125xi32, #tpu.memory_space<hbm>> -> memref<1x1x1x125xi32, #tpu.memory_space<hbm>>
      %dma_wait3A_62 = tpu.memref_squeeze %dma_wait3A_61 : memref<1x1x1x125xi32, #tpu.memory_space<hbm>> -> memref<125xi32, #tpu.memory_space<hbm>>
      %dma_wait3A_63 = arith.constant 0 : i32
      %dma_wait3A_64 = tpu.memref_slice %arg4[%dma_wait3A, %arg1, %dma_wait3A_59, %dma_wait3A_63] : memref<2x16x160x125xi32, #tpu.memory_space<hbm>> -> memref<1x1x1x125xi32, #tpu.memory_space<hbm>>
      %dma_wait3A_65 = tpu.memref_squeeze %dma_wait3A_64 : memref<1x1x1x125xi32, #tpu.memory_space<hbm>> -> memref<125xi32, #tpu.memory_space<hbm>>
      tpu.wait_dma2 semaphore(%arg21 : memref<!tpu.dma_semaphore, #tpu.memory_space<semaphore_mem>>) src(%dma_wait3A_65 : memref<125xi32, #tpu.memory_space<hbm>>) dst(%arg10 : memref<125xi32, #tpu.memory_space<vmem>>)
      %dma_start3A_66 = arith.constant 0 : i32
      %dma_start3A_67 = arith.constant 0 : i32
      %dma_start3A_68 = tpu.memref_slice %arg2[%dma_start3A_66, %dma_start3A_67] : memref<10000x128xf32, #tpu.memory_space<hbm>> -> memref<10000x128xf32, #tpu.memory_space<hbm>>
      tpu.enqueue_indirect_dma source(%dma_start3A_68 : memref<10000x128xf32, #tpu.memory_space<hbm>>) target(%arg18 : memref<125x128xf32, #tpu.memory_space<vmem>>) offsets(%arg10 : memref<125xi32, #tpu.memory_space<vmem>>) semaphore(%arg29 : memref<!tpu.dma_semaphore, #tpu.memory_space<semaphore_mem>>)
      %dma_wait3A_69 = arith.constant 0 : i32
      %dma_wait3A_70 = tpu.memref_slice %arg35[%mul3A_0, %dma_wait3A_69] : memref<10000x128xf32, #tpu.memory_space<vmem_shared>> -> memref<625x128xf32, #tpu.memory_space<vmem_shared>>
      tpu.wait_dma2 semaphore(%arg30 : memref<!tpu.dma_semaphore, #tpu.memory_space<semaphore_mem>>) src(%arg5 : memref<625x128xf32, #tpu.memory_space<hbm>>) dst(%dma_wait3A_70 : memref<625x128xf32, #tpu.memory_space<vmem_shared>>)
      %dma_wait3A_71 = arith.constant 0 : i32
      %dma_wait3A_72 = tpu.memref_slice %arg36[%mul3A_0, %dma_wait3A_71] : memref<10000x8xf32, #tpu.memory_space<vmem_shared>> -> memref<625x8xf32, #tpu.memory_space<vmem_shared>>
      tpu.wait_dma2 semaphore(%arg32 : memref<!tpu.dma_semaphore, #tpu.memory_space<semaphore_mem>>) src(%arg6 : memref<625x8xf32, #tpu.memory_space<hbm>>) dst(%dma_wait3A_72 : memref<625x8xf32, #tpu.memory_space<vmem_shared>>)
      %barrier3A_73 = arith.constant 0 : index
      tpu.barrier barrier_id(%barrier3A_73)
      %scan3A = arith.constant 0 : i32
      %scan3A_74 = arith.constant 0 : i32
      %scan3A_75 = arith.constant 40 : i32
      %scan3A_76 = arith.addi %scan3A_74, %scan3A_75 : i32
      %scan3A_77 = arith.constant 1 : i32
      scf.for %scan3A_91 = %scan3A_74 to %scan3A_76 step %scan3A_77  : i32 {
        %mul3A_92 = arith.constant 4 : i32
        %mul3A_93 = arith.muli %mul3A_92, %scan3A_91 : i32
        %add3A = arith.constant 0 : i32
        %add3A_94 = arith.addi %mul3A_93, %add3A : i32
        %dma_wait3A_95 = arith.constant 0 : i32
        %dma_wait3A_96 = arith.constant 0 : i32
        %dma_wait3A_97 = tpu.memref_slice %arg2[%dma_wait3A_95, %dma_wait3A_96] : memref<10000x128xf32, #tpu.memory_space<hbm>> -> memref<10000x128xf32, #tpu.memory_space<hbm>>
        tpu.wait_indirect_dma semaphore(%arg29 : memref<!tpu.dma_semaphore, #tpu.memory_space<semaphore_mem>>) src(%dma_wait3A_97 : memref<10000x128xf32, #tpu.memory_space<hbm>>) dst(%arg18 : memref<125x128xf32, #tpu.memory_space<vmem>>)
        %dma_wait3A_98 = arith.constant 1 : i32
        %dma_wait3A_99 = arith.constant 0 : i32
        %dma_wait3A_100 = tpu.memref_slice %arg4[%dma_wait3A_98, %arg1, %add3A_94, %dma_wait3A_99] : memref<2x16x160x125xi32, #tpu.memory_space<hbm>> -> memref<1x1x1x125xi32, #tpu.memory_space<hbm>>
        %dma_wait3A_101 = tpu.memref_squeeze %dma_wait3A_100 : memref<1x1x1x125xi32, #tpu.memory_space<hbm>> -> memref<125xi32, #tpu.memory_space<hbm>>
        %dma_wait3A_102 = arith.constant 0 : i32
        %dma_wait3A_103 = tpu.memref_slice %arg4[%dma_wait3A_98, %arg1, %add3A_94, %dma_wait3A_102] : memref<2x16x160x125xi32, #tpu.memory_space<hbm>> -> memref<1x1x1x125xi32, #tpu.memory_space<hbm>>
        %dma_wait3A_104 = tpu.memref_squeeze %dma_wait3A_103 : memref<1x1x1x125xi32, #tpu.memory_space<hbm>> -> memref<125xi32, #tpu.memory_space<hbm>>
        tpu.wait_dma2 semaphore(%arg25 : memref<!tpu.dma_semaphore, #tpu.memory_space<semaphore_mem>>) src(%dma_wait3A_104 : memref<125xi32, #tpu.memory_space<hbm>>) dst(%arg14 : memref<125xi32, #tpu.memory_space<vmem>>)
        %dma_start3A_105 = arith.constant 0 : i32
        %dma_start3A_106 = arith.constant 0 : i32
        %dma_start3A_107 = tpu.memref_slice %arg35[%dma_start3A_105, %dma_start3A_106] : memref<10000x128xf32, #tpu.memory_space<vmem_shared>> -> memref<10000x128xf32, #tpu.memory_space<vmem_shared>>
        tpu.enqueue_indirect_dma source(%arg18 : memref<125x128xf32, #tpu.memory_space<vmem>>) target(%dma_start3A_107 : memref<10000x128xf32, #tpu.memory_space<vmem_shared>>) offsets(%arg14 : memref<125xi32, #tpu.memory_space<vmem>>) semaphore(%arg31 : memref<!tpu.dma_semaphore, #tpu.memory_space<semaphore_mem>>) {add = true}
        %dma_start3A_108 = arith.constant 0 : i32
        %dma_start3A_109 = arith.constant 0 : i32
        %dma_start3A_110 = tpu.memref_slice %arg36[%dma_start3A_108, %dma_start3A_109] : memref<10000x8xf32, #tpu.memory_space<vmem_shared>> -> memref<10000x8xf32, #tpu.memory_space<vmem_shared>>
        tpu.enqueue_indirect_dma source(%arg20 : memref<125x8xf32, #tpu.memory_space<vmem>>) target(%dma_start3A_110 : memref<10000x8xf32, #tpu.memory_space<vmem_shared>>) offsets(%arg14 : memref<125xi32, #tpu.memory_space<vmem>>) semaphore(%arg33 : memref<!tpu.dma_semaphore, #tpu.memory_space<semaphore_mem>>) {add = true}
        %gt3A = arith.constant 0 : i32
        %gt3A_111 = arith.cmpi sgt, %scan3A_91, %gt3A : i32
        %convert_element_type3A_112 = arith.extui %gt3A_111 : i1 to i32
        %cond3A_113 = arith.constant 0 : i32
        %cond3A_114 = arith.cmpi ne, %convert_element_type3A_112, %cond3A_113 : i32
        scf.if %cond3A_114 {
          %dma_wait3A_260 = arith.constant 0 : i32
          %dma_wait3A_261 = arith.constant 0 : i32
          %dma_wait3A_262 = tpu.memref_slice %arg35[%dma_wait3A_260, %dma_wait3A_261] : memref<10000x128xf32, #tpu.memory_space<vmem_shared>> -> memref<10000x128xf32, #tpu.memory_space<vmem_shared>>
          tpu.wait_indirect_dma semaphore(%arg32 : memref<!tpu.dma_semaphore, #tpu.memory_space<semaphore_mem>>) src(%arg19 : memref<125x128xf32, #tpu.memory_space<vmem>>) dst(%dma_wait3A_262 : memref<10000x128xf32, #tpu.memory_space<vmem_shared>>)
          %dma_wait3A_263 = arith.constant 0 : i32
          %dma_wait3A_264 = arith.constant 0 : i32
          %dma_wait3A_265 = tpu.memref_slice %arg36[%dma_wait3A_263, %dma_wait3A_264] : memref<10000x8xf32, #tpu.memory_space<vmem_shared>> -> memref<10000x8xf32, #tpu.memory_space<vmem_shared>>
          tpu.wait_indirect_dma semaphore(%arg34 : memref<!tpu.dma_semaphore, #tpu.memory_space<semaphore_mem>>) src(%arg20 : memref<125x8xf32, #tpu.memory_space<vmem>>) dst(%dma_wait3A_265 : memref<10000x8xf32, #tpu.memory_space<vmem_shared>>)
        } else {
        }
        %add3A_115 = arith.constant 1 : i32
        %add3A_116 = arith.addi %add3A_94, %add3A_115 : i32
        %dma_wait3A_117 = arith.constant 0 : i32
        %dma_wait3A_118 = arith.constant 0 : i32
        %dma_wait3A_119 = tpu.memref_slice %arg4[%dma_wait3A_117, %arg1, %add3A_116, %dma_wait3A_118] : memref<2x16x160x125xi32, #tpu.memory_space<hbm>> -> memref<1x1x1x125xi32, #tpu.memory_space<hbm>>
        %dma_wait3A_120 = tpu.memref_squeeze %dma_wait3A_119 : memref<1x1x1x125xi32, #tpu.memory_space<hbm>> -> memref<125xi32, #tpu.memory_space<hbm>>
        %dma_wait3A_121 = arith.constant 0 : i32
        %dma_wait3A_122 = tpu.memref_slice %arg4[%dma_wait3A_117, %arg1, %add3A_116, %dma_wait3A_121] : memref<2x16x160x125xi32, #tpu.memory_space<hbm>> -> memref<1x1x1x125xi32, #tpu.memory_space<hbm>>
        %dma_wait3A_123 = tpu.memref_squeeze %dma_wait3A_122 : memref<1x1x1x125xi32, #tpu.memory_space<hbm>> -> memref<125xi32, #tpu.memory_space<hbm>>
        tpu.wait_dma2 semaphore(%arg22 : memref<!tpu.dma_semaphore, #tpu.memory_space<semaphore_mem>>) src(%dma_wait3A_123 : memref<125xi32, #tpu.memory_space<hbm>>) dst(%arg11 : memref<125xi32, #tpu.memory_space<vmem>>)
        %dma_start3A_124 = arith.constant 0 : i32
        %dma_start3A_125 = arith.constant 0 : i32
        %dma_start3A_126 = tpu.memref_slice %arg2[%dma_start3A_124, %dma_start3A_125] : memref<10000x128xf32, #tpu.memory_space<hbm>> -> memref<10000x128xf32, #tpu.memory_space<hbm>>
        tpu.enqueue_indirect_dma source(%dma_start3A_126 : memref<10000x128xf32, #tpu.memory_space<hbm>>) target(%arg19 : memref<125x128xf32, #tpu.memory_space<vmem>>) offsets(%arg11 : memref<125xi32, #tpu.memory_space<vmem>>) semaphore(%arg30 : memref<!tpu.dma_semaphore, #tpu.memory_space<semaphore_mem>>)
        %add3A_127 = arith.constant 3 : i32
        %add3A_128 = arith.addi %add3A_94, %add3A_127 : i32
        %dma_start3A_129 = arith.constant 0 : i32
        %dma_start3A_130 = arith.constant 0 : i32
        %dma_start3A_131 = tpu.memref_slice %arg4[%dma_start3A_129, %arg1, %add3A_128, %dma_start3A_130] : memref<2x16x160x125xi32, #tpu.memory_space<hbm>> -> memref<1x1x1x125xi32, #tpu.memory_space<hbm>>
        %dma_start3A_132 = tpu.memref_squeeze %dma_start3A_131 : memref<1x1x1x125xi32, #tpu.memory_space<hbm>> -> memref<125xi32, #tpu.memory_space<hbm>>
        %dma_start3A_133 = arith.constant 0 : i32
        %dma_start3A_134 = tpu.memref_slice %arg4[%dma_start3A_129, %arg1, %add3A_128, %dma_start3A_133] : memref<2x16x160x125xi32, #tpu.memory_space<hbm>> -> memref<1x1x1x125xi32, #tpu.memory_space<hbm>>
        %dma_start3A_135 = tpu.memref_squeeze %dma_start3A_134 : memref<1x1x1x125xi32, #tpu.memory_space<hbm>> -> memref<125xi32, #tpu.memory_space<hbm>>
        tpu.enqueue_dma source(%dma_start3A_135 : memref<125xi32, #tpu.memory_space<hbm>>) target(%arg13 : memref<125xi32, #tpu.memory_space<vmem>>) target_semaphore(%arg24 : memref<!tpu.dma_semaphore, #tpu.memory_space<semaphore_mem>>)
        %add3A_136 = arith.constant 3 : i32
        %add3A_137 = arith.addi %add3A_94, %add3A_136 : i32
        %dma_start3A_138 = arith.constant 1 : i32
        %dma_start3A_139 = arith.constant 0 : i32
        %dma_start3A_140 = tpu.memref_slice %arg4[%dma_start3A_138, %arg1, %add3A_137, %dma_start3A_139] : memref<2x16x160x125xi32, #tpu.memory_space<hbm>> -> memref<1x1x1x125xi32, #tpu.memory_space<hbm>>
        %dma_start3A_141 = tpu.memref_squeeze %dma_start3A_140 : memref<1x1x1x125xi32, #tpu.memory_space<hbm>> -> memref<125xi32, #tpu.memory_space<hbm>>
        %dma_start3A_142 = arith.constant 0 : i32
        %dma_start3A_143 = tpu.memref_slice %arg4[%dma_start3A_138, %arg1, %add3A_137, %dma_start3A_142] : memref<2x16x160x125xi32, #tpu.memory_space<hbm>> -> memref<1x1x1x125xi32, #tpu.memory_space<hbm>>
        %dma_start3A_144 = tpu.memref_squeeze %dma_start3A_143 : memref<1x1x1x125xi32, #tpu.memory_space<hbm>> -> memref<125xi32, #tpu.memory_space<hbm>>
        tpu.enqueue_dma source(%dma_start3A_144 : memref<125xi32, #tpu.memory_space<hbm>>) target(%arg17 : memref<125xi32, #tpu.memory_space<vmem>>) target_semaphore(%arg28 : memref<!tpu.dma_semaphore, #tpu.memory_space<semaphore_mem>>)
        %mul3A_145 = arith.constant 4 : i32
        %mul3A_146 = arith.muli %mul3A_145, %scan3A_91 : i32
        %add3A_147 = arith.constant 1 : i32
        %add3A_148 = arith.addi %mul3A_146, %add3A_147 : i32
        %dma_wait3A_149 = arith.constant 0 : i32
        %dma_wait3A_150 = arith.constant 0 : i32
        %dma_wait3A_151 = tpu.memref_slice %arg2[%dma_wait3A_149, %dma_wait3A_150] : memref<10000x128xf32, #tpu.memory_space<hbm>> -> memref<10000x128xf32, #tpu.memory_space<hbm>>
        tpu.wait_indirect_dma semaphore(%arg30 : memref<!tpu.dma_semaphore, #tpu.memory_space<semaphore_mem>>) src(%dma_wait3A_151 : memref<10000x128xf32, #tpu.memory_space<hbm>>) dst(%arg19 : memref<125x128xf32, #tpu.memory_space<vmem>>)
        %dma_wait3A_152 = arith.constant 1 : i32
        %dma_wait3A_153 = arith.constant 0 : i32
        %dma_wait3A_154 = tpu.memref_slice %arg4[%dma_wait3A_152, %arg1, %add3A_148, %dma_wait3A_153] : memref<2x16x160x125xi32, #tpu.memory_space<hbm>> -> memref<1x1x1x125xi32, #tpu.memory_space<hbm>>
        %dma_wait3A_155 = tpu.memref_squeeze %dma_wait3A_154 : memref<1x1x1x125xi32, #tpu.memory_space<hbm>> -> memref<125xi32, #tpu.memory_space<hbm>>
        %dma_wait3A_156 = arith.constant 0 : i32
        %dma_wait3A_157 = tpu.memref_slice %arg4[%dma_wait3A_152, %arg1, %add3A_148, %dma_wait3A_156] : memref<2x16x160x125xi32, #tpu.memory_space<hbm>> -> memref<1x1x1x125xi32, #tpu.memory_space<hbm>>
        %dma_wait3A_158 = tpu.memref_squeeze %dma_wait3A_157 : memref<1x1x1x125xi32, #tpu.memory_space<hbm>> -> memref<125xi32, #tpu.memory_space<hbm>>
        tpu.wait_dma2 semaphore(%arg26 : memref<!tpu.dma_semaphore, #tpu.memory_space<semaphore_mem>>) src(%dma_wait3A_158 : memref<125xi32, #tpu.memory_space<hbm>>) dst(%arg15 : memref<125xi32, #tpu.memory_space<vmem>>)
        %dma_start3A_159 = arith.constant 0 : i32
        %dma_start3A_160 = arith.constant 0 : i32
        %dma_start3A_161 = tpu.memref_slice %arg35[%dma_start3A_159, %dma_start3A_160] : memref<10000x128xf32, #tpu.memory_space<vmem_shared>> -> memref<10000x128xf32, #tpu.memory_space<vmem_shared>>
        tpu.enqueue_indirect_dma source(%arg19 : memref<125x128xf32, #tpu.memory_space<vmem>>) target(%dma_start3A_161 : memref<10000x128xf32, #tpu.memory_space<vmem_shared>>) offsets(%arg15 : memref<125xi32, #tpu.memory_space<vmem>>) semaphore(%arg32 : memref<!tpu.dma_semaphore, #tpu.memory_space<semaphore_mem>>) {add = true}
        %dma_start3A_162 = arith.constant 0 : i32
        %dma_start3A_163 = arith.constant 0 : i32
        %dma_start3A_164 = tpu.memref_slice %arg36[%dma_start3A_162, %dma_start3A_163] : memref<10000x8xf32, #tpu.memory_space<vmem_shared>> -> memref<10000x8xf32, #tpu.memory_space<vmem_shared>>
        tpu.enqueue_indirect_dma source(%arg20 : memref<125x8xf32, #tpu.memory_space<vmem>>) target(%dma_start3A_164 : memref<10000x8xf32, #tpu.memory_space<vmem_shared>>) offsets(%arg15 : memref<125xi32, #tpu.memory_space<vmem>>) semaphore(%arg34 : memref<!tpu.dma_semaphore, #tpu.memory_space<semaphore_mem>>) {add = true}
        %dma_wait3A_165 = arith.constant 0 : i32
        %dma_wait3A_166 = arith.constant 0 : i32
        %dma_wait3A_167 = tpu.memref_slice %arg35[%dma_wait3A_165, %dma_wait3A_166] : memref<10000x128xf32, #tpu.memory_space<vmem_shared>> -> memref<10000x128xf32, #tpu.memory_space<vmem_shared>>
        tpu.wait_indirect_dma semaphore(%arg31 : memref<!tpu.dma_semaphore, #tpu.memory_space<semaphore_mem>>) src(%arg18 : memref<125x128xf32, #tpu.memory_space<vmem>>) dst(%dma_wait3A_167 : memref<10000x128xf32, #tpu.memory_space<vmem_shared>>)
        %dma_wait3A_168 = arith.constant 0 : i32
        %dma_wait3A_169 = arith.constant 0 : i32
        %dma_wait3A_170 = tpu.memref_slice %arg36[%dma_wait3A_168, %dma_wait3A_169] : memref<10000x8xf32, #tpu.memory_space<vmem_shared>> -> memref<10000x8xf32, #tpu.memory_space<vmem_shared>>
        tpu.wait_indirect_dma semaphore(%arg33 : memref<!tpu.dma_semaphore, #tpu.memory_space<semaphore_mem>>) src(%arg20 : memref<125x8xf32, #tpu.memory_space<vmem>>) dst(%dma_wait3A_170 : memref<10000x8xf32, #tpu.memory_space<vmem_shared>>)
        %add3A_171 = arith.constant 1 : i32
        %add3A_172 = arith.addi %add3A_148, %add3A_171 : i32
        %dma_wait3A_173 = arith.constant 0 : i32
        %dma_wait3A_174 = arith.constant 0 : i32
        %dma_wait3A_175 = tpu.memref_slice %arg4[%dma_wait3A_173, %arg1, %add3A_172, %dma_wait3A_174] : memref<2x16x160x125xi32, #tpu.memory_space<hbm>> -> memref<1x1x1x125xi32, #tpu.memory_space<hbm>>
        %dma_wait3A_176 = tpu.memref_squeeze %dma_wait3A_175 : memref<1x1x1x125xi32, #tpu.memory_space<hbm>> -> memref<125xi32, #tpu.memory_space<hbm>>
        %dma_wait3A_177 = arith.constant 0 : i32
        %dma_wait3A_178 = tpu.memref_slice %arg4[%dma_wait3A_173, %arg1, %add3A_172, %dma_wait3A_177] : memref<2x16x160x125xi32, #tpu.memory_space<hbm>> -> memref<1x1x1x125xi32, #tpu.memory_space<hbm>>
        %dma_wait3A_179 = tpu.memref_squeeze %dma_wait3A_178 : memref<1x1x1x125xi32, #tpu.memory_space<hbm>> -> memref<125xi32, #tpu.memory_space<hbm>>
        tpu.wait_dma2 semaphore(%arg23 : memref<!tpu.dma_semaphore, #tpu.memory_space<semaphore_mem>>) src(%dma_wait3A_179 : memref<125xi32, #tpu.memory_space<hbm>>) dst(%arg12 : memref<125xi32, #tpu.memory_space<vmem>>)
        %dma_start3A_180 = arith.constant 0 : i32
        %dma_start3A_181 = arith.constant 0 : i32
        %dma_start3A_182 = tpu.memref_slice %arg2[%dma_start3A_180, %dma_start3A_181] : memref<10000x128xf32, #tpu.memory_space<hbm>> -> memref<10000x128xf32, #tpu.memory_space<hbm>>
        tpu.enqueue_indirect_dma source(%dma_start3A_182 : memref<10000x128xf32, #tpu.memory_space<hbm>>) target(%arg18 : memref<125x128xf32, #tpu.memory_space<vmem>>) offsets(%arg12 : memref<125xi32, #tpu.memory_space<vmem>>) semaphore(%arg29 : memref<!tpu.dma_semaphore, #tpu.memory_space<semaphore_mem>>)
        %lt3A = arith.constant 39 : i32
        %lt3A_183 = arith.cmpi slt, %scan3A_91, %lt3A : i32
        %convert_element_type3A_184 = arith.extui %lt3A_183 : i1 to i32
        %cond3A_185 = arith.constant 0 : i32
        %cond3A_186 = arith.cmpi ne, %convert_element_type3A_184, %cond3A_185 : i32
        scf.if %cond3A_186 {
          %add3A_260 = arith.constant 3 : i32
          %add3A_261 = arith.addi %add3A_148, %add3A_260 : i32
          %dma_start3A_262 = arith.constant 0 : i32
          %dma_start3A_263 = arith.constant 0 : i32
          %dma_start3A_264 = tpu.memref_slice %arg4[%dma_start3A_262, %arg1, %add3A_261, %dma_start3A_263] : memref<2x16x160x125xi32, #tpu.memory_space<hbm>> -> memref<1x1x1x125xi32, #tpu.memory_space<hbm>>
          %dma_start3A_265 = tpu.memref_squeeze %dma_start3A_264 : memref<1x1x1x125xi32, #tpu.memory_space<hbm>> -> memref<125xi32, #tpu.memory_space<hbm>>
          %dma_start3A_266 = arith.constant 0 : i32
          %dma_start3A_267 = tpu.memref_slice %arg4[%dma_start3A_262, %arg1, %add3A_261, %dma_start3A_266] : memref<2x16x160x125xi32, #tpu.memory_space<hbm>> -> memref<1x1x1x125xi32, #tpu.memory_space<hbm>>
          %dma_start3A_268 = tpu.memref_squeeze %dma_start3A_267 : memref<1x1x1x125xi32, #tpu.memory_space<hbm>> -> memref<125xi32, #tpu.memory_space<hbm>>
          tpu.enqueue_dma source(%dma_start3A_268 : memref<125xi32, #tpu.memory_space<hbm>>) target(%arg10 : memref<125xi32, #tpu.memory_space<vmem>>) target_semaphore(%arg21 : memref<!tpu.dma_semaphore, #tpu.memory_space<semaphore_mem>>)
          %add3A_269 = arith.constant 3 : i32
          %add3A_270 = arith.addi %add3A_148, %add3A_269 : i32
          %dma_start3A_271 = arith.constant 1 : i32
          %dma_start3A_272 = arith.constant 0 : i32
          %dma_start3A_273 = tpu.memref_slice %arg4[%dma_start3A_271, %arg1, %add3A_270, %dma_start3A_272] : memref<2x16x160x125xi32, #tpu.memory_space<hbm>> -> memref<1x1x1x125xi32, #tpu.memory_space<hbm>>
          %dma_start3A_274 = tpu.memref_squeeze %dma_start3A_273 : memref<1x1x1x125xi32, #tpu.memory_space<hbm>> -> memref<125xi32, #tpu.memory_space<hbm>>
          %dma_start3A_275 = arith.constant 0 : i32
          %dma_start3A_276 = tpu.memref_slice %arg4[%dma_start3A_271, %arg1, %add3A_270, %dma_start3A_275] : memref<2x16x160x125xi32, #tpu.memory_space<hbm>> -> memref<1x1x1x125xi32, #tpu.memory_space<hbm>>
          %dma_start3A_277 = tpu.memref_squeeze %dma_start3A_276 : memref<1x1x1x125xi32, #tpu.memory_space<hbm>> -> memref<125xi32, #tpu.memory_space<hbm>>
          tpu.enqueue_dma source(%dma_start3A_277 : memref<125xi32, #tpu.memory_space<hbm>>) target(%arg14 : memref<125xi32, #tpu.memory_space<vmem>>) target_semaphore(%arg25 : memref<!tpu.dma_semaphore, #tpu.memory_space<semaphore_mem>>)
        } else {
        }
        %mul3A_187 = arith.constant 4 : i32
        %mul3A_188 = arith.muli %mul3A_187, %scan3A_91 : i32
        %add3A_189 = arith.constant 2 : i32
        %add3A_190 = arith.addi %mul3A_188, %add3A_189 : i32
        %dma_wait3A_191 = arith.constant 0 : i32
        %dma_wait3A_192 = arith.constant 0 : i32
        %dma_wait3A_193 = tpu.memref_slice %arg2[%dma_wait3A_191, %dma_wait3A_192] : memref<10000x128xf32, #tpu.memory_space<hbm>> -> memref<10000x128xf32, #tpu.memory_space<hbm>>
        tpu.wait_indirect_dma semaphore(%arg29 : memref<!tpu.dma_semaphore, #tpu.memory_space<semaphore_mem>>) src(%dma_wait3A_193 : memref<10000x128xf32, #tpu.memory_space<hbm>>) dst(%arg18 : memref<125x128xf32, #tpu.memory_space<vmem>>)
        %dma_wait3A_194 = arith.constant 1 : i32
        %dma_wait3A_195 = arith.constant 0 : i32
        %dma_wait3A_196 = tpu.memref_slice %arg4[%dma_wait3A_194, %arg1, %add3A_190, %dma_wait3A_195] : memref<2x16x160x125xi32, #tpu.memory_space<hbm>> -> memref<1x1x1x125xi32, #tpu.memory_space<hbm>>
        %dma_wait3A_197 = tpu.memref_squeeze %dma_wait3A_196 : memref<1x1x1x125xi32, #tpu.memory_space<hbm>> -> memref<125xi32, #tpu.memory_space<hbm>>
        %dma_wait3A_198 = arith.constant 0 : i32
        %dma_wait3A_199 = tpu.memref_slice %arg4[%dma_wait3A_194, %arg1, %add3A_190, %dma_wait3A_198] : memref<2x16x160x125xi32, #tpu.memory_space<hbm>> -> memref<1x1x1x125xi32, #tpu.memory_space<hbm>>
        %dma_wait3A_200 = tpu.memref_squeeze %dma_wait3A_199 : memref<1x1x1x125xi32, #tpu.memory_space<hbm>> -> memref<125xi32, #tpu.memory_space<hbm>>
        tpu.wait_dma2 semaphore(%arg27 : memref<!tpu.dma_semaphore, #tpu.memory_space<semaphore_mem>>) src(%dma_wait3A_200 : memref<125xi32, #tpu.memory_space<hbm>>) dst(%arg16 : memref<125xi32, #tpu.memory_space<vmem>>)
        %dma_start3A_201 = arith.constant 0 : i32
        %dma_start3A_202 = arith.constant 0 : i32
        %dma_start3A_203 = tpu.memref_slice %arg35[%dma_start3A_201, %dma_start3A_202] : memref<10000x128xf32, #tpu.memory_space<vmem_shared>> -> memref<10000x128xf32, #tpu.memory_space<vmem_shared>>
        tpu.enqueue_indirect_dma source(%arg18 : memref<125x128xf32, #tpu.memory_space<vmem>>) target(%dma_start3A_203 : memref<10000x128xf32, #tpu.memory_space<vmem_shared>>) offsets(%arg16 : memref<125xi32, #tpu.memory_space<vmem>>) semaphore(%arg31 : memref<!tpu.dma_semaphore, #tpu.memory_space<semaphore_mem>>) {add = true}
        %dma_start3A_204 = arith.constant 0 : i32
        %dma_start3A_205 = arith.constant 0 : i32
        %dma_start3A_206 = tpu.memref_slice %arg36[%dma_start3A_204, %dma_start3A_205] : memref<10000x8xf32, #tpu.memory_space<vmem_shared>> -> memref<10000x8xf32, #tpu.memory_space<vmem_shared>>
        tpu.enqueue_indirect_dma source(%arg20 : memref<125x8xf32, #tpu.memory_space<vmem>>) target(%dma_start3A_206 : memref<10000x8xf32, #tpu.memory_space<vmem_shared>>) offsets(%arg16 : memref<125xi32, #tpu.memory_space<vmem>>) semaphore(%arg33 : memref<!tpu.dma_semaphore, #tpu.memory_space<semaphore_mem>>) {add = true}
        %dma_wait3A_207 = arith.constant 0 : i32
        %dma_wait3A_208 = arith.constant 0 : i32
        %dma_wait3A_209 = tpu.memref_slice %arg35[%dma_wait3A_207, %dma_wait3A_208] : memref<10000x128xf32, #tpu.memory_space<vmem_shared>> -> memref<10000x128xf32, #tpu.memory_space<vmem_shared>>
        tpu.wait_indirect_dma semaphore(%arg32 : memref<!tpu.dma_semaphore, #tpu.memory_space<semaphore_mem>>) src(%arg19 : memref<125x128xf32, #tpu.memory_space<vmem>>) dst(%dma_wait3A_209 : memref<10000x128xf32, #tpu.memory_space<vmem_shared>>)
        %dma_wait3A_210 = arith.constant 0 : i32
        %dma_wait3A_211 = arith.constant 0 : i32
        %dma_wait3A_212 = tpu.memref_slice %arg36[%dma_wait3A_210, %dma_wait3A_211] : memref<10000x8xf32, #tpu.memory_space<vmem_shared>> -> memref<10000x8xf32, #tpu.memory_space<vmem_shared>>
        tpu.wait_indirect_dma semaphore(%arg34 : memref<!tpu.dma_semaphore, #tpu.memory_space<semaphore_mem>>) src(%arg20 : memref<125x8xf32, #tpu.memory_space<vmem>>) dst(%dma_wait3A_212 : memref<10000x8xf32, #tpu.memory_space<vmem_shared>>)
        %add3A_213 = arith.constant 1 : i32
        %add3A_214 = arith.addi %add3A_190, %add3A_213 : i32
        %dma_wait3A_215 = arith.constant 0 : i32
        %dma_wait3A_216 = arith.constant 0 : i32
        %dma_wait3A_217 = tpu.memref_slice %arg4[%dma_wait3A_215, %arg1, %add3A_214, %dma_wait3A_216] : memref<2x16x160x125xi32, #tpu.memory_space<hbm>> -> memref<1x1x1x125xi32, #tpu.memory_space<hbm>>
        %dma_wait3A_218 = tpu.memref_squeeze %dma_wait3A_217 : memref<1x1x1x125xi32, #tpu.memory_space<hbm>> -> memref<125xi32, #tpu.memory_space<hbm>>
        %dma_wait3A_219 = arith.constant 0 : i32
        %dma_wait3A_220 = tpu.memref_slice %arg4[%dma_wait3A_215, %arg1, %add3A_214, %dma_wait3A_219] : memref<2x16x160x125xi32, #tpu.memory_space<hbm>> -> memref<1x1x1x125xi32, #tpu.memory_space<hbm>>
        %dma_wait3A_221 = tpu.memref_squeeze %dma_wait3A_220 : memref<1x1x1x125xi32, #tpu.memory_space<hbm>> -> memref<125xi32, #tpu.memory_space<hbm>>
        tpu.wait_dma2 semaphore(%arg24 : memref<!tpu.dma_semaphore, #tpu.memory_space<semaphore_mem>>) src(%dma_wait3A_221 : memref<125xi32, #tpu.memory_space<hbm>>) dst(%arg13 : memref<125xi32, #tpu.memory_space<vmem>>)
        %dma_start3A_222 = arith.constant 0 : i32
        %dma_start3A_223 = arith.constant 0 : i32
        %dma_start3A_224 = tpu.memref_slice %arg2[%dma_start3A_222, %dma_start3A_223] : memref<10000x128xf32, #tpu.memory_space<hbm>> -> memref<10000x128xf32, #tpu.memory_space<hbm>>
        tpu.enqueue_indirect_dma source(%dma_start3A_224 : memref<10000x128xf32, #tpu.memory_space<hbm>>) target(%arg19 : memref<125x128xf32, #tpu.memory_space<vmem>>) offsets(%arg13 : memref<125xi32, #tpu.memory_space<vmem>>) semaphore(%arg30 : memref<!tpu.dma_semaphore, #tpu.memory_space<semaphore_mem>>)
        %lt3A_225 = arith.constant 39 : i32
        %lt3A_226 = arith.cmpi slt, %scan3A_91, %lt3A_225 : i32
        %convert_element_type3A_227 = arith.extui %lt3A_226 : i1 to i32
        %cond3A_228 = arith.constant 0 : i32
        %cond3A_229 = arith.cmpi ne, %convert_element_type3A_227, %cond3A_228 : i32
        scf.if %cond3A_229 {
          %add3A_260 = arith.constant 3 : i32
          %add3A_261 = arith.addi %add3A_190, %add3A_260 : i32
          %dma_start3A_262 = arith.constant 0 : i32
          %dma_start3A_263 = arith.constant 0 : i32
          %dma_start3A_264 = tpu.memref_slice %arg4[%dma_start3A_262, %arg1, %add3A_261, %dma_start3A_263] : memref<2x16x160x125xi32, #tpu.memory_space<hbm>> -> memref<1x1x1x125xi32, #tpu.memory_space<hbm>>
          %dma_start3A_265 = tpu.memref_squeeze %dma_start3A_264 : memref<1x1x1x125xi32, #tpu.memory_space<hbm>> -> memref<125xi32, #tpu.memory_space<hbm>>
          %dma_start3A_266 = arith.constant 0 : i32
          %dma_start3A_267 = tpu.memref_slice %arg4[%dma_start3A_262, %arg1, %add3A_261, %dma_start3A_266] : memref<2x16x160x125xi32, #tpu.memory_space<hbm>> -> memref<1x1x1x125xi32, #tpu.memory_space<hbm>>
          %dma_start3A_268 = tpu.memref_squeeze %dma_start3A_267 : memref<1x1x1x125xi32, #tpu.memory_space<hbm>> -> memref<125xi32, #tpu.memory_space<hbm>>
          tpu.enqueue_dma source(%dma_start3A_268 : memref<125xi32, #tpu.memory_space<hbm>>) target(%arg11 : memref<125xi32, #tpu.memory_space<vmem>>) target_semaphore(%arg22 : memref<!tpu.dma_semaphore, #tpu.memory_space<semaphore_mem>>)
          %add3A_269 = arith.constant 3 : i32
          %add3A_270 = arith.addi %add3A_190, %add3A_269 : i32
          %dma_start3A_271 = arith.constant 1 : i32
          %dma_start3A_272 = arith.constant 0 : i32
          %dma_start3A_273 = tpu.memref_slice %arg4[%dma_start3A_271, %arg1, %add3A_270, %dma_start3A_272] : memref<2x16x160x125xi32, #tpu.memory_space<hbm>> -> memref<1x1x1x125xi32, #tpu.memory_space<hbm>>
          %dma_start3A_274 = tpu.memref_squeeze %dma_start3A_273 : memref<1x1x1x125xi32, #tpu.memory_space<hbm>> -> memref<125xi32, #tpu.memory_space<hbm>>
          %dma_start3A_275 = arith.constant 0 : i32
          %dma_start3A_276 = tpu.memref_slice %arg4[%dma_start3A_271, %arg1, %add3A_270, %dma_start3A_275] : memref<2x16x160x125xi32, #tpu.memory_space<hbm>> -> memref<1x1x1x125xi32, #tpu.memory_space<hbm>>
          %dma_start3A_277 = tpu.memref_squeeze %dma_start3A_276 : memref<1x1x1x125xi32, #tpu.memory_space<hbm>> -> memref<125xi32, #tpu.memory_space<hbm>>
          tpu.enqueue_dma source(%dma_start3A_277 : memref<125xi32, #tpu.memory_space<hbm>>) target(%arg15 : memref<125xi32, #tpu.memory_space<vmem>>) target_semaphore(%arg26 : memref<!tpu.dma_semaphore, #tpu.memory_space<semaphore_mem>>)
        } else {
        }
        %mul3A_230 = arith.constant 4 : i32
        %mul3A_231 = arith.muli %mul3A_230, %scan3A_91 : i32
        %add3A_232 = arith.constant 3 : i32
        %add3A_233 = arith.addi %mul3A_231, %add3A_232 : i32
        %dma_wait3A_234 = arith.constant 0 : i32
        %dma_wait3A_235 = arith.constant 0 : i32
        %dma_wait3A_236 = tpu.memref_slice %arg2[%dma_wait3A_234, %dma_wait3A_235] : memref<10000x128xf32, #tpu.memory_space<hbm>> -> memref<10000x128xf32, #tpu.memory_space<hbm>>
        tpu.wait_indirect_dma semaphore(%arg30 : memref<!tpu.dma_semaphore, #tpu.memory_space<semaphore_mem>>) src(%dma_wait3A_236 : memref<10000x128xf32, #tpu.memory_space<hbm>>) dst(%arg19 : memref<125x128xf32, #tpu.memory_space<vmem>>)
        %dma_wait3A_237 = arith.constant 1 : i32
        %dma_wait3A_238 = arith.constant 0 : i32
        %dma_wait3A_239 = tpu.memref_slice %arg4[%dma_wait3A_237, %arg1, %add3A_233, %dma_wait3A_238] : memref<2x16x160x125xi32, #tpu.memory_space<hbm>> -> memref<1x1x1x125xi32, #tpu.memory_space<hbm>>
        %dma_wait3A_240 = tpu.memref_squeeze %dma_wait3A_239 : memref<1x1x1x125xi32, #tpu.memory_space<hbm>> -> memref<125xi32, #tpu.memory_space<hbm>>
        %dma_wait3A_241 = arith.constant 0 : i32
        %dma_wait3A_242 = tpu.memref_slice %arg4[%dma_wait3A_237, %arg1, %add3A_233, %dma_wait3A_241] : memref<2x16x160x125xi32, #tpu.memory_space<hbm>> -> memref<1x1x1x125xi32, #tpu.memory_space<hbm>>
        %dma_wait3A_243 = tpu.memref_squeeze %dma_wait3A_242 : memref<1x1x1x125xi32, #tpu.memory_space<hbm>> -> memref<125xi32, #tpu.memory_space<hbm>>
        tpu.wait_dma2 semaphore(%arg28 : memref<!tpu.dma_semaphore, #tpu.memory_space<semaphore_mem>>) src(%dma_wait3A_243 : memref<125xi32, #tpu.memory_space<hbm>>) dst(%arg17 : memref<125xi32, #tpu.memory_space<vmem>>)
        %dma_start3A_244 = arith.constant 0 : i32
        %dma_start3A_245 = arith.constant 0 : i32
        %dma_start3A_246 = tpu.memref_slice %arg35[%dma_start3A_244, %dma_start3A_245] : memref<10000x128xf32, #tpu.memory_space<vmem_shared>> -> memref<10000x128xf32, #tpu.memory_space<vmem_shared>>
        tpu.enqueue_indirect_dma source(%arg19 : memref<125x128xf32, #tpu.memory_space<vmem>>) target(%dma_start3A_246 : memref<10000x128xf32, #tpu.memory_space<vmem_shared>>) offsets(%arg17 : memref<125xi32, #tpu.memory_space<vmem>>) semaphore(%arg32 : memref<!tpu.dma_semaphore, #tpu.memory_space<semaphore_mem>>) {add = true}
        %dma_start3A_247 = arith.constant 0 : i32
        %dma_start3A_248 = arith.constant 0 : i32
        %dma_start3A_249 = tpu.memref_slice %arg36[%dma_start3A_247, %dma_start3A_248] : memref<10000x8xf32, #tpu.memory_space<vmem_shared>> -> memref<10000x8xf32, #tpu.memory_space<vmem_shared>>
        tpu.enqueue_indirect_dma source(%arg20 : memref<125x8xf32, #tpu.memory_space<vmem>>) target(%dma_start3A_249 : memref<10000x8xf32, #tpu.memory_space<vmem_shared>>) offsets(%arg17 : memref<125xi32, #tpu.memory_space<vmem>>) semaphore(%arg34 : memref<!tpu.dma_semaphore, #tpu.memory_space<semaphore_mem>>) {add = true}
        %lt3A_250 = arith.constant 39 : i32
        %lt3A_251 = arith.cmpi slt, %scan3A_91, %lt3A_250 : i32
        %convert_element_type3A_252 = arith.extui %lt3A_251 : i1 to i32
        %cond3A_253 = arith.constant 0 : i32
        %cond3A_254 = arith.cmpi ne, %convert_element_type3A_252, %cond3A_253 : i32
        scf.if %cond3A_254 {
          %dma_wait3A_260 = arith.constant 0 : i32
          %dma_wait3A_261 = arith.constant 0 : i32
          %dma_wait3A_262 = tpu.memref_slice %arg35[%dma_wait3A_260, %dma_wait3A_261] : memref<10000x128xf32, #tpu.memory_space<vmem_shared>> -> memref<10000x128xf32, #tpu.memory_space<vmem_shared>>
          tpu.wait_indirect_dma semaphore(%arg31 : memref<!tpu.dma_semaphore, #tpu.memory_space<semaphore_mem>>) src(%arg18 : memref<125x128xf32, #tpu.memory_space<vmem>>) dst(%dma_wait3A_262 : memref<10000x128xf32, #tpu.memory_space<vmem_shared>>)
          %dma_wait3A_263 = arith.constant 0 : i32
          %dma_wait3A_264 = arith.constant 0 : i32
          %dma_wait3A_265 = tpu.memref_slice %arg36[%dma_wait3A_263, %dma_wait3A_264] : memref<10000x8xf32, #tpu.memory_space<vmem_shared>> -> memref<10000x8xf32, #tpu.memory_space<vmem_shared>>
          tpu.wait_indirect_dma semaphore(%arg33 : memref<!tpu.dma_semaphore, #tpu.memory_space<semaphore_mem>>) src(%arg20 : memref<125x8xf32, #tpu.memory_space<vmem>>) dst(%dma_wait3A_265 : memref<10000x8xf32, #tpu.memory_space<vmem_shared>>)
          %add3A_266 = arith.constant 1 : i32
          %add3A_267 = arith.addi %add3A_233, %add3A_266 : i32
          %dma_wait3A_268 = arith.constant 0 : i32
          %dma_wait3A_269 = arith.constant 0 : i32
          %dma_wait3A_270 = tpu.memref_slice %arg4[%dma_wait3A_268, %arg1, %add3A_267, %dma_wait3A_269] : memref<2x16x160x125xi32, #tpu.memory_space<hbm>> -> memref<1x1x1x125xi32, #tpu.memory_space<hbm>>
          %dma_wait3A_271 = tpu.memref_squeeze %dma_wait3A_270 : memref<1x1x1x125xi32, #tpu.memory_space<hbm>> -> memref<125xi32, #tpu.memory_space<hbm>>
          %dma_wait3A_272 = arith.constant 0 : i32
          %dma_wait3A_273 = tpu.memref_slice %arg4[%dma_wait3A_268, %arg1, %add3A_267, %dma_wait3A_272] : memref<2x16x160x125xi32, #tpu.memory_space<hbm>> -> memref<1x1x1x125xi32, #tpu.memory_space<hbm>>
          %dma_wait3A_274 = tpu.memref_squeeze %dma_wait3A_273 : memref<1x1x1x125xi32, #tpu.memory_space<hbm>> -> memref<125xi32, #tpu.memory_space<hbm>>
          tpu.wait_dma2 semaphore(%arg21 : memref<!tpu.dma_semaphore, #tpu.memory_space<semaphore_mem>>) src(%dma_wait3A_274 : memref<125xi32, #tpu.memory_space<hbm>>) dst(%arg10 : memref<125xi32, #tpu.memory_space<vmem>>)
          %dma_start3A_275 = arith.constant 0 : i32
          %dma_start3A_276 = arith.constant 0 : i32
          %dma_start3A_277 = tpu.memref_slice %arg2[%dma_start3A_275, %dma_start3A_276] : memref<10000x128xf32, #tpu.memory_space<hbm>> -> memref<10000x128xf32, #tpu.memory_space<hbm>>
          tpu.enqueue_indirect_dma source(%dma_start3A_277 : memref<10000x128xf32, #tpu.memory_space<hbm>>) target(%arg18 : memref<125x128xf32, #tpu.memory_space<vmem>>) offsets(%arg10 : memref<125xi32, #tpu.memory_space<vmem>>) semaphore(%arg29 : memref<!tpu.dma_semaphore, #tpu.memory_space<semaphore_mem>>)
        } else {
        }
        %lt3A_255 = arith.constant 39 : i32
        %lt3A_256 = arith.cmpi slt, %scan3A_91, %lt3A_255 : i32
        %convert_element_type3A_257 = arith.extui %lt3A_256 : i1 to i32
        %cond3A_258 = arith.constant 0 : i32
        %cond3A_259 = arith.cmpi ne, %convert_element_type3A_257, %cond3A_258 : i32
        scf.if %cond3A_259 {
          %add3A_260 = arith.constant 3 : i32
          %add3A_261 = arith.addi %add3A_233, %add3A_260 : i32
          %dma_start3A_262 = arith.constant 0 : i32
          %dma_start3A_263 = arith.constant 0 : i32
          %dma_start3A_264 = tpu.memref_slice %arg4[%dma_start3A_262, %arg1, %add3A_261, %dma_start3A_263] : memref<2x16x160x125xi32, #tpu.memory_space<hbm>> -> memref<1x1x1x125xi32, #tpu.memory_space<hbm>>
          %dma_start3A_265 = tpu.memref_squeeze %dma_start3A_264 : memref<1x1x1x125xi32, #tpu.memory_space<hbm>> -> memref<125xi32, #tpu.memory_space<hbm>>
          %dma_start3A_266 = arith.constant 0 : i32
          %dma_start3A_267 = tpu.memref_slice %arg4[%dma_start3A_262, %arg1, %add3A_261, %dma_start3A_266] : memref<2x16x160x125xi32, #tpu.memory_space<hbm>> -> memref<1x1x1x125xi32, #tpu.memory_space<hbm>>
          %dma_start3A_268 = tpu.memref_squeeze %dma_start3A_267 : memref<1x1x1x125xi32, #tpu.memory_space<hbm>> -> memref<125xi32, #tpu.memory_space<hbm>>
          tpu.enqueue_dma source(%dma_start3A_268 : memref<125xi32, #tpu.memory_space<hbm>>) target(%arg12 : memref<125xi32, #tpu.memory_space<vmem>>) target_semaphore(%arg23 : memref<!tpu.dma_semaphore, #tpu.memory_space<semaphore_mem>>)
          %add3A_269 = arith.constant 3 : i32
          %add3A_270 = arith.addi %add3A_233, %add3A_269 : i32
          %dma_start3A_271 = arith.constant 1 : i32
          %dma_start3A_272 = arith.constant 0 : i32
          %dma_start3A_273 = tpu.memref_slice %arg4[%dma_start3A_271, %arg1, %add3A_270, %dma_start3A_272] : memref<2x16x160x125xi32, #tpu.memory_space<hbm>> -> memref<1x1x1x125xi32, #tpu.memory_space<hbm>>
          %dma_start3A_274 = tpu.memref_squeeze %dma_start3A_273 : memref<1x1x1x125xi32, #tpu.memory_space<hbm>> -> memref<125xi32, #tpu.memory_space<hbm>>
          %dma_start3A_275 = arith.constant 0 : i32
          %dma_start3A_276 = tpu.memref_slice %arg4[%dma_start3A_271, %arg1, %add3A_270, %dma_start3A_275] : memref<2x16x160x125xi32, #tpu.memory_space<hbm>> -> memref<1x1x1x125xi32, #tpu.memory_space<hbm>>
          %dma_start3A_277 = tpu.memref_squeeze %dma_start3A_276 : memref<1x1x1x125xi32, #tpu.memory_space<hbm>> -> memref<125xi32, #tpu.memory_space<hbm>>
          tpu.enqueue_dma source(%dma_start3A_277 : memref<125xi32, #tpu.memory_space<hbm>>) target(%arg16 : memref<125xi32, #tpu.memory_space<vmem>>) target_semaphore(%arg27 : memref<!tpu.dma_semaphore, #tpu.memory_space<semaphore_mem>>)
        } else {
        }
      }
      %scan3A_78 = arith.constant 40 : i32
      %dma_wait3A_79 = arith.constant 0 : i32
      %dma_wait3A_80 = arith.constant 0 : i32
      %dma_wait3A_81 = tpu.memref_slice %arg35[%dma_wait3A_79, %dma_wait3A_80] : memref<10000x128xf32, #tpu.memory_space<vmem_shared>> -> memref<10000x128xf32, #tpu.memory_space<vmem_shared>>
      tpu.wait_indirect_dma semaphore(%arg31 : memref<!tpu.dma_semaphore, #tpu.memory_space<semaphore_mem>>) src(%arg18 : memref<125x128xf32, #tpu.memory_space<vmem>>) dst(%dma_wait3A_81 : memref<10000x128xf32, #tpu.memory_space<vmem_shared>>)
      %dma_wait3A_82 = arith.constant 0 : i32
      %dma_wait3A_83 = arith.constant 0 : i32
      %dma_wait3A_84 = tpu.memref_slice %arg36[%dma_wait3A_82, %dma_wait3A_83] : memref<10000x8xf32, #tpu.memory_space<vmem_shared>> -> memref<10000x8xf32, #tpu.memory_space<vmem_shared>>
      tpu.wait_indirect_dma semaphore(%arg33 : memref<!tpu.dma_semaphore, #tpu.memory_space<semaphore_mem>>) src(%arg20 : memref<125x8xf32, #tpu.memory_space<vmem>>) dst(%dma_wait3A_84 : memref<10000x8xf32, #tpu.memory_space<vmem_shared>>)
      %dma_wait3A_85 = arith.constant 0 : i32
      %dma_wait3A_86 = arith.constant 0 : i32
      %dma_wait3A_87 = tpu.memref_slice %arg35[%dma_wait3A_85, %dma_wait3A_86] : memref<10000x128xf32, #tpu.memory_space<vmem_shared>> -> memref<10000x128xf32, #tpu.memory_space<vmem_shared>>
      tpu.wait_indirect_dma semaphore(%arg32 : memref<!tpu.dma_semaphore, #tpu.memory_space<semaphore_mem>>) src(%arg19 : memref<125x128xf32, #tpu.memory_space<vmem>>) dst(%dma_wait3A_87 : memref<10000x128xf32, #tpu.memory_space<vmem_shared>>)
      %dma_wait3A_88 = arith.constant 0 : i32
      %dma_wait3A_89 = arith.constant 0 : i32
      %dma_wait3A_90 = tpu.memref_slice %arg36[%dma_wait3A_88, %dma_wait3A_89] : memref<10000x8xf32, #tpu.memory_space<vmem_shared>> -> memref<10000x8xf32, #tpu.memory_space<vmem_shared>>
      tpu.wait_indirect_dma semaphore(%arg34 : memref<!tpu.dma_semaphore, #tpu.memory_space<semaphore_mem>>) src(%arg20 : memref<125x8xf32, #tpu.memory_space<vmem>>) dst(%dma_wait3A_90 : memref<10000x8xf32, #tpu.memory_space<vmem_shared>>)
    } else {
    }
    %barrier3A = arith.constant 0 : index
    tpu.barrier barrier_id(%barrier3A)
    "tpu.region"() ({
      %run_scoped3A = tpu.sem_alloc : memref<!tpu.dma_semaphore, #tpu.memory_space<semaphore_mem>>
      %dma_start3A_11 = arith.constant 0 : i32
      %dma_start3A_12 = tpu.memref_slice %arg8[%arg0, %mul3A_0, %dma_start3A_11] : memref<2x10000x128xf32, #tpu.memory_space<hbm>> -> memref<1x625x128xf32, #tpu.memory_space<hbm>>
      %dma_start3A_13 = tpu.memref_squeeze %dma_start3A_12 : memref<1x625x128xf32, #tpu.memory_space<hbm>> -> memref<625x128xf32, #tpu.memory_space<hbm>>
      %dma_start3A_14 = arith.constant 0 : i32
      %dma_start3A_15 = tpu.memref_slice %arg35[%mul3A_0, %dma_start3A_14] : memref<10000x128xf32, #tpu.memory_space<vmem_shared>> -> memref<625x128xf32, #tpu.memory_space<vmem_shared>>
      tpu.enqueue_dma source(%dma_start3A_15 : memref<625x128xf32, #tpu.memory_space<vmem_shared>>) target(%dma_start3A_13 : memref<625x128xf32, #tpu.memory_space<hbm>>) target_semaphore(%run_scoped3A : memref<!tpu.dma_semaphore, #tpu.memory_space<semaphore_mem>>)
      %dma_wait3A = arith.constant 0 : i32
      %dma_wait3A_16 = tpu.memref_slice %arg8[%arg0, %mul3A_0, %dma_wait3A] : memref<2x10000x128xf32, #tpu.memory_space<hbm>> -> memref<1x625x128xf32, #tpu.memory_space<hbm>>
      %dma_wait3A_17 = tpu.memref_squeeze %dma_wait3A_16 : memref<1x625x128xf32, #tpu.memory_space<hbm>> -> memref<625x128xf32, #tpu.memory_space<hbm>>
      %dma_wait3A_18 = arith.constant 0 : i32
      %dma_wait3A_19 = tpu.memref_slice %arg35[%mul3A_0, %dma_wait3A_18] : memref<10000x128xf32, #tpu.memory_space<vmem_shared>> -> memref<625x128xf32, #tpu.memory_space<vmem_shared>>
      tpu.wait_dma2 semaphore(%run_scoped3A : memref<!tpu.dma_semaphore, #tpu.memory_space<semaphore_mem>>) src(%dma_wait3A_19 : memref<625x128xf32, #tpu.memory_space<vmem_shared>>) dst(%dma_wait3A_17 : memref<625x128xf32, #tpu.memory_space<hbm>>)
      tpu.yield
    }) : () -> ()
    "tpu.region"() ({
      %run_scoped3A = tpu.sem_alloc : memref<!tpu.dma_semaphore, #tpu.memory_space<semaphore_mem>>
      %dma_start3A_11 = arith.constant 0 : i32
      %dma_start3A_12 = tpu.memref_slice %arg9[%arg0, %mul3A_0, %dma_start3A_11] : memref<2x10000x8xf32, #tpu.memory_space<hbm>> -> memref<1x625x8xf32, #tpu.memory_space<hbm>>
      %dma_start3A_13 = tpu.memref_squeeze %dma_start3A_12 : memref<1x625x8xf32, #tpu.memory_space<hbm>> -> memref<625x8xf32, #tpu.memory_space<hbm>>
      %dma_start3A_14 = arith.constant 0 : i32
      %dma_start3A_15 = tpu.memref_slice %arg36[%mul3A_0, %dma_start3A_14] : memref<10000x8xf32, #tpu.memory_space<vmem_shared>> -> memref<625x8xf32, #tpu.memory_space<vmem_shared>>
      tpu.enqueue_dma source(%dma_start3A_15 : memref<625x8xf32, #tpu.memory_space<vmem_shared>>) target(%dma_start3A_13 : memref<625x8xf32, #tpu.memory_space<hbm>>) target_semaphore(%run_scoped3A : memref<!tpu.dma_semaphore, #tpu.memory_space<semaphore_mem>>)
      %dma_wait3A = arith.constant 0 : i32
      %dma_wait3A_16 = tpu.memref_slice %arg9[%arg0, %mul3A_0, %dma_wait3A] : memref<2x10000x8xf32, #tpu.memory_space<hbm>> -> memref<1x625x8xf32, #tpu.memory_space<hbm>>
      %dma_wait3A_17 = tpu.memref_squeeze %dma_wait3A_16 : memref<1x625x8xf32, #tpu.memory_space<hbm>> -> memref<625x8xf32, #tpu.memory_space<hbm>>
      %dma_wait3A_18 = arith.constant 0 : i32
      %dma_wait3A_19 = tpu.memref_slice %arg36[%mul3A_0, %dma_wait3A_18] : memref<10000x8xf32, #tpu.memory_space<vmem_shared>> -> memref<625x8xf32, #tpu.memory_space<vmem_shared>>
      tpu.wait_dma2 semaphore(%run_scoped3A : memref<!tpu.dma_semaphore, #tpu.memory_space<semaphore_mem>>) src(%dma_wait3A_19 : memref<625x8xf32, #tpu.memory_space<vmem_shared>>) dst(%dma_wait3A_17 : memref<625x8xf32, #tpu.memory_space<hbm>>)
      tpu.yield
    }) : () -> ()
    return
  }
}

module attributes {stable_mosaic.version = 14 : i64} {
  func.func @_tc_linear_body(%arg0: i32, %arg1: memref<1x2000x128xf32, #tpu.memory_space<vmem>>, %arg2: memref<1x2000x8xf32, #tpu.memory_space<vmem>>, %arg3: memref<128x128xf32, #tpu.memory_space<vmem>>, %arg4: memref<1x128xf32, #tpu.memory_space<vmem>>, %arg5: memref<1x2000x128xf32, #tpu.memory_space<vmem>>, %arg6: memref<1x2000x8xf32, #tpu.memory_space<vmem>>, %arg7: memref<128x128xf32, #tpu.memory_space<vmem>>, %arg8: memref<1x128xf32, #tpu.memory_space<vmem>>, %arg9: memref<2000x128xf32, #tpu.memory_space<vmem>>, %arg10: memref<2000x128xf32, #tpu.memory_space<vmem>>) attributes {dimension_semantics = [#tpu.dimension_semantics<arbitrary>], iteration_bounds = array<i64: 5>, scalar_prefetch = 0 : i64, scratch_operands = 0 : i64, tpu.core_type = #tpu.core_type<tc>, window_params = [{transform_indices = @transform_0, window_bounds = array<i64: 1, 2000, 128>}, {transform_indices = @transform_1, window_bounds = array<i64: 1, 2000, 8>}, {pipeline_mode = #tpu.pipeline_mode<synchronous>, transform_indices = @transform_2, window_bounds = array<i64: 128, 128>}, {pipeline_mode = #tpu.pipeline_mode<synchronous>, transform_indices = @transform_3, window_bounds = array<i64: 1, 128>}, {transform_indices = @transform_4, window_bounds = array<i64: 1, 2000, 128>}, {transform_indices = @transform_5, window_bounds = array<i64: 1, 2000, 8>}, {pipeline_mode = #tpu.pipeline_mode<synchronous>, transform_indices = @transform_6, window_bounds = array<i64: 128, 128>}, {pipeline_mode = #tpu.pipeline_mode<synchronous>, transform_indices = @transform_7, window_bounds = array<i64: 1, 128>}, {transform_indices = @transform_8, window_bounds = array<i64: 2000, 128>}, {transform_indices = @transform_9, window_bounds = array<i64: 2000, 128>}]} {
    %get3A = arith.constant 0 : index
    %get3A_0 = arith.constant 0 : index
    %get3A_1 = arith.constant 0 : index
    %get3A_2 = vector.load %arg2[%get3A, %get3A_0, %get3A_1] : memref<1x2000x8xf32, #tpu.memory_space<vmem>>, vector<1x2000x1xf32>
    %get3A_3 = vector.shape_cast %get3A_2 : vector<1x2000x1xf32> to vector<2000x1xf32>
    %get3A_4 = arith.constant 0 : index
    %get3A_5 = arith.constant 0 : index
    %get3A_6 = arith.constant 0 : index
    %get3A_7 = vector.load %arg1[%get3A_4, %get3A_5, %get3A_6] : memref<1x2000x128xf32, #tpu.memory_space<vmem>>, vector<1x2000x128xf32>
    %get3A_8 = vector.shape_cast %get3A_7 : vector<1x2000x128xf32> to vector<2000x128xf32>
    %max3A = arith.constant 1.000000e+00 : f32
    %max3A_9 = vector.broadcast %max3A : f32 to vector<2000x1xf32>
    %max3A_10 = arith.maximumf %get3A_3, %max3A_9 : vector<2000x1xf32>
    %div3A = arith.constant 1.000000e+00 : f32
    %div3A_11 = vector.broadcast %div3A : f32 to vector<2000x1xf32>
    %div3A_12 = arith.divf %div3A_11, %max3A_10 : vector<2000x1xf32>
    %mul3A = vector.broadcast %div3A_12 : vector<2000x1xf32> to vector<2000x128xf32>
    %mul3A_13 = arith.mulf %get3A_8, %mul3A : vector<2000x128xf32>
    %get3A_14 = arith.constant 0 : index
    %get3A_15 = arith.constant 0 : index
    %get3A_16 = vector.load %arg3[%get3A_14, %get3A_15] : memref<128x128xf32, #tpu.memory_space<vmem>>, vector<128x128xf32>
    %dot_general3A = arith.constant dense<0.000000e+00> : vector<2000x128xf32>
    %dot_general3A_17 = tpu.matmul %mul3A_13, %get3A_16, %dot_general3A {dimension_numbers = #tpu.dot_dimension_numbers<[1], [0], [0], [1], [0, 0, 1, 1], [], []>, transpose_lhs_hint = false} : vector<2000x128xf32>, vector<128x128xf32>, vector<2000x128xf32> -> vector<2000x128xf32>
    %min3A = arith.constant 1.000000e+00 : f32
    %min3A_18 = vector.broadcast %min3A : f32 to vector<2000x1xf32>
    %min3A_19 = arith.minimumf %get3A_3, %min3A_18 : vector<2000x1xf32>
    %get3A_20 = arith.constant 0 : index
    %get3A_21 = arith.constant 0 : index
    %get3A_22 = vector.load %arg4[%get3A_20, %get3A_21] : memref<1x128xf32, #tpu.memory_space<vmem>>, vector<1x128xf32>
    %mul3A_23 = vector.broadcast %min3A_19 : vector<2000x1xf32> to vector<2000x128xf32>
    %mul3A_24 = vector.broadcast %get3A_22 : vector<1x128xf32> to vector<2000x128xf32>
    %mul3A_25 = arith.mulf %mul3A_23, %mul3A_24 : vector<2000x128xf32>
    %add3A = arith.addf %dot_general3A_17, %mul3A_25 : vector<2000x128xf32>
    %swap3A = arith.constant 0 : index
    %swap3A_26 = arith.constant 0 : index
    %swap3A_27 = vector.load %arg9[%swap3A, %swap3A_26] : memref<2000x128xf32, #tpu.memory_space<vmem>>, vector<2000x128xf32>
    tpu.vector_store %arg9[%swap3A, %swap3A_26], %add3A {strides = array<i32>} : memref<2000x128xf32, #tpu.memory_space<vmem>>, vector<2000x128xf32>,
    %get3A_28 = arith.constant 0 : index
    %get3A_29 = arith.constant 0 : index
    %get3A_30 = arith.constant 0 : index
    %get3A_31 = vector.load %arg6[%get3A_28, %get3A_29, %get3A_30] : memref<1x2000x8xf32, #tpu.memory_space<vmem>>, vector<1x2000x1xf32>
    %get3A_32 = vector.shape_cast %get3A_31 : vector<1x2000x1xf32> to vector<2000x1xf32>
    %get3A_33 = arith.constant 0 : index
    %get3A_34 = arith.constant 0 : index
    %get3A_35 = arith.constant 0 : index
    %get3A_36 = vector.load %arg5[%get3A_33, %get3A_34, %get3A_35] : memref<1x2000x128xf32, #tpu.memory_space<vmem>>, vector<1x2000x128xf32>
    %get3A_37 = vector.shape_cast %get3A_36 : vector<1x2000x128xf32> to vector<2000x128xf32>
    %max3A_38 = arith.constant 1.000000e+00 : f32
    %max3A_39 = vector.broadcast %max3A_38 : f32 to vector<2000x1xf32>
    %max3A_40 = arith.maximumf %get3A_32, %max3A_39 : vector<2000x1xf32>
    %div3A_41 = arith.constant 1.000000e+00 : f32
    %div3A_42 = vector.broadcast %div3A_41 : f32 to vector<2000x1xf32>
    %div3A_43 = arith.divf %div3A_42, %max3A_40 : vector<2000x1xf32>
    %mul3A_44 = vector.broadcast %div3A_43 : vector<2000x1xf32> to vector<2000x128xf32>
    %mul3A_45 = arith.mulf %get3A_37, %mul3A_44 : vector<2000x128xf32>
    %get3A_46 = arith.constant 0 : index
    %get3A_47 = arith.constant 0 : index
    %get3A_48 = vector.load %arg7[%get3A_46, %get3A_47] : memref<128x128xf32, #tpu.memory_space<vmem>>, vector<128x128xf32>
    %dot_general3A_49 = arith.constant dense<0.000000e+00> : vector<2000x128xf32>
    %dot_general3A_50 = tpu.matmul %mul3A_45, %get3A_48, %dot_general3A_49 {dimension_numbers = #tpu.dot_dimension_numbers<[1], [0], [0], [1], [0, 0, 1, 1], [], []>, transpose_lhs_hint = false} : vector<2000x128xf32>, vector<128x128xf32>, vector<2000x128xf32> -> vector<2000x128xf32>
    %min3A_51 = arith.constant 1.000000e+00 : f32
    %min3A_52 = vector.broadcast %min3A_51 : f32 to vector<2000x1xf32>
    %min3A_53 = arith.minimumf %get3A_32, %min3A_52 : vector<2000x1xf32>
    %get3A_54 = arith.constant 0 : index
    %get3A_55 = arith.constant 0 : index
    %get3A_56 = vector.load %arg8[%get3A_54, %get3A_55] : memref<1x128xf32, #tpu.memory_space<vmem>>, vector<1x128xf32>
    %mul3A_57 = vector.broadcast %min3A_53 : vector<2000x1xf32> to vector<2000x128xf32>
    %mul3A_58 = vector.broadcast %get3A_56 : vector<1x128xf32> to vector<2000x128xf32>
    %mul3A_59 = arith.mulf %mul3A_57, %mul3A_58 : vector<2000x128xf32>
    %add3A_60 = arith.addf %dot_general3A_50, %mul3A_59 : vector<2000x128xf32>
    %swap3A_61 = arith.constant 0 : index
    %swap3A_62 = arith.constant 0 : index
    %swap3A_63 = vector.load %arg10[%swap3A_61, %swap3A_62] : memref<2000x128xf32, #tpu.memory_space<vmem>>, vector<2000x128xf32>
    tpu.vector_store %arg10[%swap3A_61, %swap3A_62], %add3A_60 {strides = array<i32>} : memref<2000x128xf32, #tpu.memory_space<vmem>>, vector<2000x128xf32>,
    return
  }
  func.func @transform_0(%arg0: i32) -> (i32, i32, i32) {
    %c0_i32 = arith.constant 0 : i32
    %c0_i32_0 = arith.constant 0 : i32
    %c0_i32_1 = arith.constant 0 : i32
    return %c0_i32, %arg0, %c0_i32_0 : i32, i32, i32
  }
  func.func @transform_1(%arg0: i32) -> (i32, i32, i32) {
    %c0_i32 = arith.constant 0 : i32
    %c0_i32_0 = arith.constant 0 : i32
    %c0_i32_1 = arith.constant 0 : i32
    return %c0_i32, %arg0, %c0_i32_0 : i32, i32, i32
  }
  func.func @transform_2(%arg0: i32) -> (i32, i32) {
    %c0_i32 = arith.constant 0 : i32
    %c0_i32_0 = arith.constant 0 : i32
    %c0_i32_1 = arith.constant 0 : i32
    return %c0_i32, %c0_i32_0 : i32, i32
  }
  func.func @transform_3(%arg0: i32) -> (i32, i32) {
    %c0_i32 = arith.constant 0 : i32
    %c0_i32_0 = arith.constant 0 : i32
    %c0_i32_1 = arith.constant 0 : i32
    return %c0_i32, %c0_i32_0 : i32, i32
  }
  func.func @transform_4(%arg0: i32) -> (i32, i32, i32) {
    %c1_i32 = arith.constant 1 : i32
    %c0_i32 = arith.constant 0 : i32
    %c0_i32_0 = arith.constant 0 : i32
    return %c1_i32, %arg0, %c0_i32 : i32, i32, i32
  }
  func.func @transform_5(%arg0: i32) -> (i32, i32, i32) {
    %c1_i32 = arith.constant 1 : i32
    %c0_i32 = arith.constant 0 : i32
    %c0_i32_0 = arith.constant 0 : i32
    return %c1_i32, %arg0, %c0_i32 : i32, i32, i32
  }
  func.func @transform_6(%arg0: i32) -> (i32, i32) {
    %c0_i32 = arith.constant 0 : i32
    %c0_i32_0 = arith.constant 0 : i32
    %c0_i32_1 = arith.constant 0 : i32
    return %c0_i32, %c0_i32_0 : i32, i32
  }
  func.func @transform_7(%arg0: i32) -> (i32, i32) {
    %c0_i32 = arith.constant 0 : i32
    %c0_i32_0 = arith.constant 0 : i32
    %c0_i32_1 = arith.constant 0 : i32
    return %c0_i32, %c0_i32_0 : i32, i32
  }
  func.func @transform_8(%arg0: i32) -> (i32, i32) {
    %c0_i32 = arith.constant 0 : i32
    %c0_i32_0 = arith.constant 0 : i32
    return %arg0, %c0_i32 : i32, i32
  }
  func.func @transform_9(%arg0: i32) -> (i32, i32) {
    %c0_i32 = arith.constant 0 : i32
    %c0_i32_0 = arith.constant 0 : i32
    return %arg0, %c0_i32 : i32, i32
  }
}

</mosaic_0001>

<sc_bundles>
// kernel: kernel.4.cloned.1.call-start
scs
__scs_entry_jumppad:
0x0: {  	(pc) =	sbr.rel $0x88, $3  }
0x1: {  	(tag) =	ssettag $0x0;
	lr =	simm.s32 $0x1  }
0x2: {  	[smem:$0x3F9A] =	sst lr;
	_ =	strace $0xD0000000  }
0x3: {  	_ = 	snop  }
0x4: {  	_ = 	snop  }
0x5: {  	_ = 	snop  }
0x6: {  	_ = 	snop  }
0x7: {  	_ = 	snop  }
__scs_overlays_trampoline_lowered:
0x8: {  	[smem:$0x3FA9] =	sst s0  }
0x9: {  	[smem:$0x3FAA] =	sst s1  }
0xa: {  	[smem:$0x3FAB] =	sst s2  }
0xb: {  	[smem:$0x3FAC] =	sst s3  }
0xc: {  	[smem:$0x3FAD] =	sst s4  }
0xd: {  	[smem:$0x3FAE] =	sst s5  }
0xe: {  	[smem:$0x3FAF] =	sst s6  }
0xf: {  	[smem:$0x3FB0] =	sst s7  }
0x10: {  	[smem:$0x3FB1] =	sst s8  }
0x11: {  	[smem:$0x3FB2] =	sst s9;
	s0 =	simm.s32 @!p0 $0x0  }
0x12: {  	s1 =	sld [smem:$0x3F98];
	s0 =	simm.s32 @p0 $0x1  }
0x13: {  	[smem:$0x3FB3] =	sst s0;
	s0 =	simm.s32 @!p1 $0x0  }
0x14: {  	s2 =	sld [smem:$0x3F97];
	s0 =	simm.s32 @p1 $0x1  }
0x15: {  	[smem:$0x3FB4] =	sst s0;
	s0 =	simm.s32 @!p2 $0x0  }
0x16: {  	s3 =	sld [smem:$0x3FDB];
	s0 =	simm.s32 @p2 $0x1  }
0x17: {  	s4 =	simm.s32 $0x1BF5;
	[smem:$0x3FB6] =	sst s0  }
0x18: {  	s0 =	sld [smem:$0x3F99];
	_ =	swait.ge [sflag:s4], $0x0  }
0x19: {  	s7 =	sld [smem:$0x3F9A]  }
0x1a: {  	s8 =	sadd.s32 $0xFFFFE003, lr  }
0x1b: {  	s9 =	sadd.s32 $0xFFFFFEF7, lr;
	s5 =	simm.s32 $0xFFFFFFFF;
	p2 =	slt.u32 s8, $0xFFFFF086  }
0x1c: {  	p1 =	slt.u32 s9, $0xF7A;
	s5 =	simm.s32 @!p2 $0x0  }
0x1d: {  	s5 =	simm.s32 @p1 $0x1;
	p0 =	seq.s32 s7, s2  }
0x1e: {  	s7 =	smul.u32 @!p0 $0xF7A, s2;
	p2 =	seq.s32 @!p0 s5, $0x0  }
0x1f: {  	s9 =	smul.u32 $0xF7A, s1;
	s8 =	simm.s32 @!p0 $0x1BF5;
	p2 =	por !p2, p0  }
0x20: {  	[sflag:s8] =	ssyncset.s32 @!p0 $0xFFFFF086;
	s6 =	sadd.s32 @!p0 s3, s7;
	s7 =	simm.s32 @!p0 $0x108  }
0x21: {  	s3 =	sadd.s32 s3, s9;
	s6 =	sadd.s32 @!p0 $0x88, s6;
	s7 =	simm.s32 @p2 $0x1082  }
0x22: {  	[simem:s7], [sflag:s8] =	dma.local @!p0 [hbm:s6], $0xF7A  }
0x23: {  	s9 =	sor.u32 $0xD0000000, s2;
	s6 =	simm.s32 $0x108;
	_ =	swait.ge @!p0 [sflag:s8], $0x0  }
0x24: {  	s3 =	sadd.s32 $0x88, s3;
	s6 =	simm.s32 @!p1 $0x1082;
	[sflag:s4] =	ssyncset.s32 $0xFFFFF086  }
0x25: {  	[simem:s6], [sflag:s4] =	dma.local [hbm:s3], $0xF7A  }
0x26: {  	[smem:$0x3F9A] =	sst s1;
	(tag) =	ssettag s2;
	_ =	strace s9  }
0x27: {  	s1 =	sld [smem:$0x3FAA]  }
0x28: {  	s2 =	sld [smem:$0x3FAB]  }
0x29: {  	s4 =	sld [smem:$0x3FAD]  }
0x2a: {  	p0 =	seq.s32 s5, $0x0;
	s5 =	sld [smem:$0x3FAE]  }
0x2b: {  	s6 =	sld [smem:$0x3FAF]  }
0x2c: {  	s7 =	sld [smem:$0x3FB0]  }
0x2d: {  	s3 =	simm.s32 $0x108;
	s8 =	sld [smem:$0x3FB1]  }
0x2e: {  	s3 =	simm.s32 @!p0 $0x1082;
	s9 =	sld [smem:$0x3FB2]  }
0x2f: {  	lr =	sadd.s32 s0, s3;
	s0 =	sld [smem:$0x3FA9]  }
0x30: {  	s3 =	sld [smem:$0x3FAC]  }
0x31: {  	[smem:$0x3FB5] =	sst s10  }
0x32: {  	s10 =	sld [smem:$0x3FB3];
	_ =	sdelay $0x3  }
0x33: {  	p0 =	seq.s32 s10, $0x1;
	s10 =	sld [smem:$0x3FB5];
	_ =	sdelay $0x3  }
0x34: {  	[smem:$0x3FB5] =	sst s10  }
0x35: {  	s10 =	sld [smem:$0x3FB4];
	_ =	sdelay $0x3  }
0x36: {  	p1 =	seq.s32 s10, $0x1;
	s10 =	sld [smem:$0x3FB5];
	_ =	sdelay $0x3  }
0x37: {  	[smem:$0x3FB5] =	sst s10  }
0x38: {  	s10 =	sld [smem:$0x3FB6]  }
0x39: {  	_ = 	snop;
	(pc) =	sbr.ind lr, $3  }
0x3a: {  	_ = 	snop  }
0x3b: {  	_ = 	snop  }
0x3c: {  	p2 =	seq.s32 s10, $0x1;
	s10 =	sld [smem:$0x3FB5]  }
0x3d: {  	_ =	shalt  }
0x3e: {  	_ =	shalt  }
0x3f: {  	_ =	shalt  }
0x40: {  	_ =	shalt  }
0x41: {  	_ =	shalt  }
0x42: {  	_ =	shalt  }
0x43: {  	_ =	shalt  }
0x44: {  	_ =	shalt  }
0x45: {  	_ =	shalt  }
0x46: {  	_ =	shalt  }
0x47: {  	_ =	shalt  }
0x48: {  	_ =	shalt  }
0x49: {  	_ =	shalt  }
0x4a: {  	_ =	shalt  }
0x4b: {  	_ =	shalt  }
0x4c: {  	_ =	shalt  }
0x4d: {  	_ =	shalt  }
0x4e: {  	_ =	shalt  }
0x4f: {  	_ =	shalt  }
0x50: {  	_ =	shalt  }
0x51: {  	_ =	shalt  }
0x52: {  	_ =	shalt  }
0x53: {  	_ =	shalt  }
0x54: {  	_ =	shalt  }
0x55: {  	_ =	shalt  }
0x56: {  	_ =	shalt  }
0x57: {  	_ =	shalt  }
0x58: {  	_ =	shalt  }
0x59: {  	_ =	shalt  }
0x5a: {  	_ =	shalt  }
0x5b: {  	_ =	shalt  }
0x5c: {  	_ =	shalt  }
0x5d: {  	_ =	shalt  }
0x5e: {  	_ =	shalt  }
0x5f: {  	_ =	shalt  }
0x60: {  	_ =	shalt  }
0x61: {  	_ =	shalt  }
0x62: {  	_ =	shalt  }
0x63: {  	_ =	shalt  }
0x64: {  	_ =	shalt  }
0x65: {  	_ =	shalt  }
0x66: {  	_ =	shalt  }
0x67: {  	_ =	shalt  }
0x68: {  	_ =	shalt  }
0x69: {  	_ =	shalt  }
0x6a: {  	_ =	shalt  }
0x6b: {  	_ =	shalt  }
0x6c: {  	_ =	shalt  }
0x6d: {  	_ =	shalt  }
0x6e: {  	_ =	shalt  }
0x6f: {  	_ =	shalt  }
0x70: {  	_ =	shalt  }
0x71: {  	_ =	shalt  }
0x72: {  	_ =	shalt  }
0x73: {  	_ =	shalt  }
0x74: {  	_ =	shalt  }
0x75: {  	_ =	shalt  }
0x76: {  	_ =	shalt  }
0x77: {  	_ =	shalt  }
0x78: {  	_ =	shalt  }
0x79: {  	_ =	shalt  }
0x7a: {  	_ =	shalt  }
0x7b: {  	_ =	shalt  }
0x7c: {  	_ =	shalt  }
0x7d: {  	_ =	shalt  }
0x7e: {  	_ =	shalt  }
0x7f: {  	_ =	shalt  }
0x80: {  	_ =	shalt  }
0x81: {  	_ =	shalt  }
0x82: {  	_ =	shalt  }
0x83: {  	_ =	shalt  }
0x84: {  	_ =	shalt  }
0x85: {  	_ =	shalt  }
0x86: {  	_ =	shalt  }
0x87: {  	_ =	shalt  }
.Lfunc_end0:
.L_simem_size_0:
called_computation_lowered:
.L_overlay_start_0:
0x88: {  	s2 =	sld [smem:$0x3FD9]  }
0x89: {  	s3 =	sld [smem:$0x3FFE];
	_ =	sdelay $0x1  }
0x8a: {  	s1 =	srdreg.scid  }
0x8b: {  	s0 =	sand.u32 $0x1, s1  }
0x8c: {  	s14 =	sshll.u32 s0, $0xA;
	s2 =	sadd.s32 s3, s2  }
0x8d: {  	s2 =	sadd.s32 s2, s14  }
0x8e: {  	[smem:$0x3FC1] =	sst s2  }
0x8f: {  	_ = 	snop  }
0x90: {  	s2 =	sld [smem:$0x3FD0];
	_ =	sdelay $0x2  }
0x91: {  	s4 =	simm.s32 $0xA;
	s5 =	simm.s32 $0x10;
	s15 =	sld [smem:$0x3FC9]  }
0x92: {  	[smem:s5], [sflag:s4] =	dma.local [hbm:s2], $0x1  }
0x93: {  	_ =	swait.eq [sflag:s4], $0x1  }
0x94: {  	[sflag:s4] =	ssyncset.done $0x0  }
0x95: {  	s16 =	sld [smem:$0x10];
	[sflag:s4] =	ssyncadd.s32 $0xFFFFFFFF  }
0x96: {  	s17 =	sld [smem:$0x11];
	(tm) =	ssettm $0x1  }
0x97: {  	s18 =	sld [smem:$0x3FFB];
	_ =	sdelay $0x3  }
0x98: {  	_ =	strace s18  }
0x99: {  	s5 =	sld [smem:$0x3FFC];
	_ =	sdelay $0x3  }
0x9a: {  	_ =	strace s5  }
0x9b: {  	s5 =	sld [smem:$0x3FFD];
	_ =	sdelay $0x3  }
0x9c: {  	_ =	strace s5  }
0x9d: {  	_ =	strace $0x8FFFFFFF  }
0x9e: {  	s19 =	sld [smem:$0x3FDB];
	_ =	sdelay $0x1  }
0x9f: {  	s6 =	simm.s32 $_scs_section_size  }
0xa0: {  	s7 =	simm.s32 $_size__tile_overlayer_lowered;
	s8 =	simm.s32 $_tile_overlayer_lowered  }
0xa1: {  	s22 =	simm.s32 $0x1BFF;
	s21 =	sshll.u32 s8, $0x1;
	s5 =	sadd.s32 s6, s19  }
0xa2: {  	s9 =	simm.s32 $0x0;
	s20 =	sshll.u32 s7, $0x1;
	s7 =	sadd.s32 s21, s5  }
0xa3: {  	[timem:s9], [sflag:s22] =	dma.local [hbm:s7], s20  }
0xa4: {  	_ =	swait.ge [sflag:s22], s20  }
0xa5: {  	s6 =	ssub.s32 $0x0, s20;
	[sflag:s22] =	ssyncset.done $0x0  }
0xa6: {  	[sflag:s22] =	ssyncadd.s32 s6;
	_ =	sdelay $0x1  }
0xa7: {  	s23 =	simm.s32 $0x1B8B  }
0xa8: {  	_ =	swait.ge [sflag:s23], $0x1  }
0xa9: {  	[sflag:s23] =	ssyncset.done $0x0  }
0xaa: {  	s25 =	simm.s32 $0x1B8E;
	s24 =	sld [smem:$0x3FFE];
	[sflag:s23] =	ssyncadd.s32 $0xFFFFFFFF  }
0xab: {  	s26 =	simm.s32 $execute0_lowered;
	[smem:$0x3FD2] =	sst s25  }
0xac: {  	s7 =	sshll.u32 s26, $0x1;
	_ =	strace $0x80000046;
	[dreg:$0x1] =	wrdreg $0xFFFFFFFF  }
0xad: {  	s28 =	simm.s32 $_size_execute0_lowered;
	s5 =	sadd.s32 s5, s7;
	[dreg:$0x0] =	wrdreg $0x0  }
0xae: {  	s7 =	sshll.u32 s28, $0x1;
	[dreg:$0x2] =	wrdreg s5  }
0xaf: {  	[dreg:$0x3] =	wrdreg s7  }
0xb0: {  	[dreg:$0x4] =	wrdreg $0xC0  }
0xb1: {  	_ =	task [dreg:s9], $0x5FFFF  }
0xb2: {  	[dreg:$0x1] =	wrdreg $0xFFFFFFFF  }
0xb3: {  	[dreg:$0x0] =	wrdreg $0x60  }
0xb4: {  	[dreg:$0x2] =	wrdreg s15  }
0xb5: {  	[dreg:$0x3] =	wrdreg s17  }
0xb6: {  	[dreg:$0x4] =	wrdreg s16  }
0xb7: {  	[dreg:$0x5] =	wrdreg s24  }
0xb8: {  	[dreg:$0x6] =	wrdreg $0x84E80  }
0xb9: {  	[dreg:$0x7] =	wrdreg $0x1BD680  }
0xba: {  	[dreg:$0x8] =	wrdreg $0x9  }
0xbb: {  	_ =	task.clear_ibuf [dreg:s9], $0x9FFFF;
	_ =	strace $0x90000046  }
0xbc: {  	s29 =	simm.s32 $0x9;
	_ =	strace $0x80000048  }
0xbd: {  	_ =	swait.ge [sflag:s29], $0x1  }
0xbe: {  	[sflag:s29] =	ssyncadd.s32 $0xFFFFFFFF  }
0xbf: {  	_ =	strace $0x90000048  }
0xc0: {  	_ =	sfence  }
0xc1: {  	s30 =	sld [smem:$0x0];
	_ =	sdelay $0x2  }
0xc2: {  	s31 =	sshll.u32 s1, $0xD;
	s1 =	sshrl.u32 s1, $0x2  }
0xc3: {  	s3 =	sand.u32 $0x4000, s31;
	s1 =	sadd.s32 s1, s30  }
0xc4: {  	s0 =	sor.u32 s3, s0;
	s1 =	sshll.u32 s1, $0x11  }
0xc5: {  	s0 =	sor.u32 s1, s0  }
0xc6: {  	s0 =	sadd.s32 $0x8F2B, s0  }
0xc7: {  	[sflag:s0] =	ssyncadd.remote.s32 $0x1  }
0xc8: {  	_ =	sfence.sel $0xFFFF  }
0xc9: {  	[dreg:$0x0] =	wrdreg $0xFFFFFFFF;
	(pc) =	sbr.abs _section_cstart, $3  }
0xca: {  	[dreg:$0x1] =	wrdreg $0xFFFFFFFF  }
0xcb: {  	_ =	task.clear_ibuf [dreg:s9], $0x2FFFF;
	_ =	strace $0x9FFFFFFF  }
0xcc: {  	(tm) =	ssettm $0x7FFFFFFF  }
0xcd: {  	_ =	shalt  }
tec
execute0_lowered:
.L_overlay_start_1:
0x0: {  	(tag) =	ssettag $0x1  }
0x1: {  	s0 =	rddreg [dreg:$0x0]  }
0x2: {  	s1 =	rddreg [dreg:$0x1]  }
0x3: {  	s2 =	rddreg [dreg:$0x2]  }
0x4: {  	s6 =	rddreg [dreg:$0x3]  }
0x5: {  	s3 =	rddreg [dreg:$0x4]  }
0x6: {  	s5 =	srdreg.scid;
	s15 =	stileid.u32  }
0x7: {  	s4 =	rddreg [dreg:$0x5];
	s8 =	smul.u32 $0x13880, s15  }
0x8: {  	s7 =	sand.u32 $0x1, s5;
	s5 =	simm.s32 $0x0;
	s10 =	smul.u32 $0x1388, s15  }
0x9: {  	s11 =	sadd.s32 $0x1A00, s6;
	s12 =	sadd.s32 $0x1600, s6;
	[smem:$0x7FF] =	sst s5  }
0xa: {  	s16 =	sadd.s32 $0x1400, s6;
	_ =	strace $0x80000047;
	[dreg:$0x7] =	wrdreg s11  }
0xb: {  	s19 =	sshll.u32 s15, $0x6;
	s9 =	smul.u32 $0x138800, s7;
	[dreg:$0x8] =	wrdreg s12  }
0xc: {  	s14 =	smul.u32 $0x13880, s7;
	s17 =	ssub.s32 $0x2, s7;
	[dreg:$0x9] =	wrdreg s16  }
0xd: {  	s26 =	smul.u32 $0xA00, s15;
	s13 =	sshrl.u32 s17, $0x1;
	[dreg:$0xb] =	wrdreg s19  }
0xe: {  	s9 =	sadd.s32 s8, s9;
	s11 =	sadd.s32 s10, s14;
	s8 =	sadd.s32 s8, s3  }
0xf: {  	s14 =	smul.u32 $0x5000, s15;
	s15 =	sadd.s32 s26, s2;
	[dreg:$0xa] =	wrdreg s8  }
0x10: {  	s9 =	sshrl.u32 s9, $0x3;
	s11 =	sshrl.u32 s11, $0x3;
	[dreg:$0x15] =	wrdreg s15  }
0x11: {  	s9 =	sadd.s32 s9, s6;
	s6 =	sadd.s32 s11, s6;
	s18 =	sshrl.u32 s14, $0x3  }
0x12: {  	s11 =	ssub.s32 s17, s13;
	s17 =	sor.u32 $0x1C0A, s19;
	s16 =	sadd.s32 s1, s18  }
0x13: {  	s20 =	sadd.s32 $0xA000, s18;
	s22 =	sadd.s32 $0xA010, s18;
	s23 =	sadd.s32 $0xA020, s18  }
0x14: {  	s8 =	sadd.s32 s2, s18;
	[dreg:$0x16] =	wrdreg s17;
	s18 =	sadd.s32 s10, s4  }
0x15: {  	s31 =	simm.s32 $0x8100;
	[dreg:$0x17] =	wrdreg s18  }
0x16: {  	s28 =	simm.s32 $0xA;
	s29 =	simm.s32 $0xC;
	[dreg:$0xc] =	wrdreg s16  }
0x17: {  	s30 =	simm.s32 $0x9;
	s21 =	sadd.s32 s1, s20;
	[dreg:$0x10] =	wrdreg s8  }
0x18: {  	p0 =	seq.s32 s7, $0x1;
	s24 =	sadd.s32 s1, s22;
	[dreg:$0xd] =	wrdreg s21  }
0x19: {  	s14 =	simm.s32 $0xF;
	s25 =	sadd.s32 s1, s23;
	[dreg:$0xe] =	wrdreg s24  }
0x1a: {  	s10 =	simm.s32 $0x4;
	s7 =	sadd.s32 s2, s20;
	[dreg:$0xf] =	wrdreg s25  }
0x1b: {  	s12 =	sadd.s32 s2, s22;
	s13 =	sadd.s32 s2, s23;
	[dreg:$0x11] =	wrdreg s7  }
0x1c: {  	s1 =	sadd.s32 s26, s1;
	s20 =	sadd.s32 $0x9200, s9;
	[dreg:$0x12] =	wrdreg s12  }
0x1d: {  	s22 =	smax.u32 s11, $0x1;
	s23 =	sadd.s32 $0x10, s16;
	[dreg:$0x13] =	wrdreg s13  }
0x1e: {  	s26 =	sadd.s32 $0x20, s8;
	s18 =	simm.s32 $0x7D;
	[dreg:$0x14] =	wrdreg s1  }
0x1f: {  	s9 =	simm.s32 $0x6;
	s2 =	simm.s32 $0x8;
	[dreg:$0x18] =	wrdreg s20  }
0x20: {  	s11 =	simm.s32 $0x0;
	s21 =	sadd.s32 $0x4200, s6;
	[dreg:$0x1a] =	wrdreg s22  }
0x21: {  	[dreg:$0x1b] =	wrdreg s23;
	s24 =	sadd.s32 $0x20, s16;
	s25 =	sadd.s32 $0x10, s8  }
.Ltmp0:
0x22: {  	[dreg:$0x1e] =	wrdreg s26;
	s7 =	simm.s32 $0x200;
	(pc) =	sbr.rel .LBB2_1-.Ltmp0, $4  }
0x23: {  	s16 =	simm.s32 $0x100;
	s26 =	simm.s32 $0x400;
	[dreg:$0x19] =	wrdreg s21  }
0x24: {  	s6 =	simm.s32 $0x4280;
	s8 =	simm.s32 $0x380;
	[dreg:$0x1c] =	wrdreg s24  }
0x25: {  	s22 =	simm.s32 $0xD;
	s23 =	simm.s32 $0x3;
	[dreg:$0x1d] =	wrdreg s25  }
0x26: {  	s21 =	simm.s32 $0xB;
	s24 =	simm.s32 $0x7;
	s25 =	simm.s32 $0xE  }
.LBB2_8:
0x27: {  	_ =	swait.ge [sflag:s28], $0x3E80  }
0x28: {  	[sflag:s28] =	ssyncset.done $0x0  }
0x29: {  	[sflag:s28] =	ssyncadd.s32 $0xFFFFC180  }
0x2a: {  	_ =	swait.ge [sflag:s2], $0x80  }
0x2b: {  	[sflag:s2] =	ssyncset.done $0x0  }
0x2c: {  	[sflag:s2] =	ssyncadd.s32 $0xFFFFFF80  }
0x2d: {  	[spmem:s3] =	stream.indirect.scatter.add.f32 [tilespmem:s6], [sflag:$0xC], $0x80, s8, s18, $0xb8;
	[tilespmem:$0x1D0F0] =	vst v63  }
0x2e: {  	_ = 	snop  }
0x2f: {  	[spmem:s4] =	stream.indirect.scatter.add.f32 [tilespmem:s31], [sflag:$0xE], $0x8, s8, s18, $0xb8;
	[tilespmem:$0x1D0F0] =	vst v63  }
0x30: {  	_ =	swait.ge [sflag:s21], $0x3E80  }
0x31: {  	[sflag:s21] =	ssyncset.done $0x0  }
0x32: {  	[sflag:s21] =	ssyncadd.s32 $0xFFFFC180  }
0x33: {  	_ =	swait.ge [sflag:s22], $0x3E8  }
0x34: {  	[sflag:s22] =	ssyncset.done $0x0  }
0x35: {  	[sflag:s22] =	ssyncadd.s32 $0xFFFFFC18  }
0x36: {  	_ =	swait.ge [sflag:s29], $0x3E80  }
0x37: {  	[sflag:s29] =	ssyncset.done $0x0  }
0x38: {  	[sflag:s29] =	ssyncadd.s32 $0xFFFFC180  }
0x39: {  	_ =	swait.ge [sflag:s25], $0x3E8  }
0x3a: {  	[sflag:s25] =	ssyncset.done $0x0  }
0x3b: {  	[sflag:s25] =	ssyncadd.s32 $0xFFFFFC18  }
0x3c: {  	[bflag:$0x0] =	sbarrier.arrive $0xFFFF  }
0x3d: {  	s11 =	sld [smem:$0x7FC]  }
0x3e: {  	s19 =	rddreg [dreg:$0xb]  }
0x3f: {  	s14 =	simm.s32 $0xF;
	s12 =	rddreg [dreg:$0x18];
	s1 =	sor.u32 $0x1C0F, s19  }
0x40: {  	[hbm:s12], [sflag:s1] =	dma.local [spmem:s11], $0x2710  }
0x41: {  	_ =	swait.ge [sflag:s14], $0x2710  }
0x42: {  	s16 =	sld [smem:$0x7FD]  }
0x43: {  	[sflag:s14] =	ssyncset.done $0x0  }
0x44: {  	s15 =	rddreg [dreg:$0x19];
	[sflag:s14] =	ssyncadd.s32 $0xFFFFD8F0  }
0x45: {  	[hbm:s15], [sflag:s1] =	dma.local [spmem:s16], $0x271  }
0x46: {  	_ =	swait.ge [sflag:s14], $0x271  }
0x47: {  	s17 =	rddreg [dreg:$0x1f]  }
0x48: {  	s20 =	rddreg [dreg:$0x1a];
	s11 =	sadd.s32 $0x1, s17  }
0x49: {  	p1 =	sne.s32 s11, s20  }
.Ltmp1:
0x4a: {  	_ = 	snop;
	(pc) =	sbr.rel @!p1 .LBB2_9-.Ltmp1, $3  }
0x4b: {  	_ =	sdelay $0x1  }
0x4c: {  	[sflag:s14] =	ssyncset.done $0x0  }
0x4d: {  	s16 =	simm.s32 $0x100;
	[sflag:s14] =	ssyncadd.s32 $0xFFFFFD8F  }
.LBB2_1:
0x4e: {  	[dreg:$0x1f] =	wrdreg s11  }
0x4f: {  	s1 =	rddreg [dreg:$0xa]  }
0x50: {  	s15 =	rddreg [dreg:$0x7]  }
0x51: {  	s12 =	rddreg [dreg:$0x16];
	s13 =	sshrl.u32 s1, $0x3  }
0x52: {  	[smem:$0x7FC] =	sst s13  }
0x53: {  	[spmem:s13], [sflag:s12] =	dma.local [hbm:s15], $0x2710  }
0x54: {  	s1 =	rddreg [dreg:$0x17]  }
0x55: {  	s20 =	rddreg [dreg:$0x8];
	s17 =	sshrl.u32 s1, $0x3  }
0x56: {  	s19 =	sor.u32 $0x1C0C, s19;
	[smem:$0x7FD] =	sst s17  }
0x57: {  	[spmem:s17], [sflag:s19] =	dma.local [hbm:s20], $0x271  }
.Ltmp2:
0x58: {  	s1 =	rddreg [dreg:$0x9];
	(pc) =	sbr.rel @!p0 .LBB2_2-.Ltmp2, $4  }
0x59: {  	[tilespmem:s31], [sflag:$0xF] =	stream.linear.gather [hbm4b:s1+s5], $0x3E8, $0x38;
	[tilespmem:$0x1D0F0] =	vst v63  }
0x5a: {  	_ =	swait.ge [sflag:s14], $0x3E8  }
0x5b: {  	[sflag:s14] =	ssyncset.done $0x0  }
0x5c: {  	s19 =	simm.s32 $0x0;
	[sflag:s14] =	ssyncadd.s32 $0xFFFFFC18  }
0x5d: {  	s1 =	rddreg [dreg:$0x10]  }
0x5e: {  	[tilespmem:s19], [sflag:$0x1] =	stream.linear.gather [hbm4b:s1+s19], $0x80, $0x38;
	[tilespmem:$0x1D0F0] =	vst v63  }
0x5f: {  	s20 =	rddreg [dreg:$0x11]  }
0x60: {  	[tilespmem:s7], [sflag:$0x5] =	stream.linear.gather [hbm4b:s20+s19], $0x80, $0x38;
	[tilespmem:$0x1D0F0] =	vst v63  }
0x61: {  	s11 =	rddreg [dreg:$0x1d];
	s12 =	simm.s32 $0x80  }
0x62: {  	[tilespmem:s12], [sflag:$0x2] =	stream.linear.gather [hbm4b:s11+s19], $0x80, $0x38;
	[tilespmem:$0x1D0F0] =	vst v63  }
0x63: {  	s13 =	rddreg [dreg:$0x12];
	s14 =	simm.s32 $0x280  }
0x64: {  	[tilespmem:s14], [sflag:$0x6] =	stream.linear.gather [hbm4b:s13+s19], $0x80, $0x38;
	[tilespmem:$0x1D0F0] =	vst v63  }
0x65: {  	s15 =	rddreg [dreg:$0x1e]  }
0x66: {  	[tilespmem:s16], [sflag:$0x3] =	stream.linear.gather [hbm4b:s15+s19], $0x80, $0x38;
	[tilespmem:$0x1D0F0] =	vst v63  }
0x67: {  	s17 =	rddreg [dreg:$0x13];
	s20 =	simm.s32 $0x1;
	s11 =	simm.s32 $0x300  }
0x68: {  	[tilespmem:s11], [sflag:$0x7] =	stream.linear.gather [hbm4b:s17+s19], $0x80, $0x38;
	[tilespmem:$0x1D0F0] =	vst v63  }
0x69: {  	_ =	swait.ge [sflag:s20], $0x80  }
0x6a: {  	[sflag:s20] =	ssyncset.done $0x0  }
0x6b: {  	[sflag:s20] =	ssyncadd.s32 $0xFFFFFF80  }
0x6c: {  	[tilespmem:s26], [sflag:$0x9] =	stream.indirect.gather [hbm4b:s0+s18], $0x80, s19, s18, $0xb8;
	[tilespmem:$0x1D0F0] =	vst v63  }
0x6d: {  	_ =	swait.ge [sflag:s28], $0x2710  }
0x6e: {  	[sflag:s28] =	ssyncset.done $0x0  }
0x6f: {  	[sflag:s28] =	ssyncadd.s32 $0xFFFFD8F0  }
0x70: {  	_ =	swait.ge [sflag:s29], $0x271  }
0x71: {  	[sflag:s29] =	ssyncset.done $0x0  }
0x72: {  	[sflag:s29] =	ssyncadd.s32 $0xFFFFFD8F  }
0x73: {  	[bflag:$0x0] =	sbarrier.arrive $0xFFFF  }
.LBB2_6:
0x74: {  	_ =	swait.ge [sflag:s30], $0x3E80  }
0x75: {  	[sflag:s30] =	ssyncset.done $0x0  }
0x76: {  	s1 =	simm.s32 $0x5;
	[sflag:s30] =	ssyncadd.s32 $0xFFFFC180  }
0x77: {  	_ =	swait.ge [sflag:s1], $0x80  }
0x78: {  	[sflag:s1] =	ssyncset.done $0x0  }
0x79: {  	s13 =	simm.s32 $0x200;
	p1 =	seq.s32 s19, $0x0;
	[sflag:s1] =	ssyncadd.s32 $0xFFFFFF80  }
0x7a: {  	[spmem:s3] =	stream.indirect.scatter.add.f32 [tilespmem:s26], [sflag:$0xB], $0x80, s13, s18, $0xb8;
	[tilespmem:$0x1D0F0] =	vst v63  }
0x7b: {  	s1 =	simm.s32 @!p1 $0xC  }
0x7c: {  	[spmem:s4] =	stream.indirect.scatter.add.f32 [tilespmem:s31], [sflag:$0xD], $0x8, s13, s18, $0xb8;
	[tilespmem:$0x1D0F0] =	vst v63  }
0x7d: {  	_ =	swait.ge @!p1 [sflag:s1], $0x3E80  }
0x7e: {  	[sflag:s1] =	ssyncset.done @!p1 $0x0  }
0x7f: {  	[sflag:s1] =	ssyncadd.s32 @!p1 $0xFFFFC180;
	s1 =	simm.s32 @!p1 $0xE  }
0x80: {  	_ =	swait.ge @!p1 [sflag:s1], $0x3E8  }
0x81: {  	[sflag:s1] =	ssyncset.done @!p1 $0x0  }
0x82: {  	s15 =	simm.s32 $0x2;
	[sflag:s1] =	ssyncadd.s32 @!p1 $0xFFFFFC18  }
0x83: {  	_ =	swait.ge [sflag:s15], $0x80  }
0x84: {  	[sflag:s15] =	ssyncset.done $0x0  }
0x85: {  	[sflag:s15] =	ssyncadd.s32 $0xFFFFFF80  }
0x86: {  	[tilespmem:s6], [sflag:$0xA] =	stream.indirect.gather [hbm4b:s0+s18], $0x80, s12, s18, $0xb8;
	[tilespmem:$0x1D0F0] =	vst v63  }
0x87: {  	s12 =	rddreg [dreg:$0x15]  }
0x88: {  	s20 =	sadd.s32 s19, s12  }
0x89: {  	s15 =	simm.s32 $0x180;
	s17 =	sadd.s32 $0x30, s20  }
0x8a: {  	[tilespmem:s15], [sflag:$0x4] =	stream.linear.gather [hbm4b:s17+s5], $0x80, $0x38;
	[tilespmem:$0x1D0F0] =	vst v63  }
0x8b: {  	s17 =	sadd.s32 $0xA030, s20  }
0x8c: {  	[tilespmem:s8], [sflag:$0x8] =	stream.linear.gather [hbm4b:s17+s5], $0x80, $0x38;
	[tilespmem:$0x1D0F0] =	vst v63  }
0x8d: {  	_ =	swait.ge [sflag:s28], $0x3E80  }
0x8e: {  	[sflag:s28] =	ssyncset.done $0x0  }
0x8f: {  	[sflag:s28] =	ssyncadd.s32 $0xFFFFC180  }
0x90: {  	_ =	swait.ge [sflag:s9], $0x80  }
0x91: {  	[sflag:s9] =	ssyncset.done $0x0  }
0x92: {  	[sflag:s9] =	ssyncadd.s32 $0xFFFFFF80  }
0x93: {  	[spmem:s3] =	stream.indirect.scatter.add.f32 [tilespmem:s6], [sflag:$0xC], $0x80, s14, s18, $0xb8;
	[tilespmem:$0x1D0F0] =	vst v63  }
0x94: {  	_ = 	snop  }
0x95: {  	[spmem:s4] =	stream.indirect.scatter.add.f32 [tilespmem:s31], [sflag:$0xE], $0x8, s14, s18, $0xb8;
	[tilespmem:$0x1D0F0] =	vst v63  }
0x96: {  	_ =	swait.ge [sflag:s21], $0x3E80  }
0x97: {  	[sflag:s21] =	ssyncset.done $0x0  }
0x98: {  	[sflag:s21] =	ssyncadd.s32 $0xFFFFC180  }
0x99: {  	_ =	swait.ge [sflag:s22], $0x3E8  }
0x9a: {  	[sflag:s22] =	ssyncset.done $0x0  }
0x9b: {  	[sflag:s22] =	ssyncadd.s32 $0xFFFFFC18  }
0x9c: {  	_ =	swait.ge [sflag:s23], $0x80  }
0x9d: {  	p1 =	seq.s32 s19, $0x9C0;
	[sflag:s23] =	ssyncset.done $0x0  }
0x9e: {  	s1 =	sadd.s32 @!p1 s19, s12;
	[sflag:s23] =	ssyncadd.s32 $0xFFFFFF80  }
0x9f: {  	[tilespmem:s26], [sflag:$0x9] =	stream.indirect.gather [hbm4b:s0+s18], $0x80, s16, s18, $0xb8;
	[tilespmem:$0x1D0F0] =	vst v63  }
0xa0: {  	s12 =	sadd.s32 @!p1 $0x40, s1;
	s14 =	simm.s32 @!p1 $0x0  }
0xa1: {  	[tilespmem:s14], [sflag:$0x1] =	stream.linear.gather @!p1 [hbm4b:s12+s14], $0x80, $0x38;
	[tilespmem:$0x1D0F0] =	vst v63  }
0xa2: {  	s1 =	sadd.s32 @!p1 $0xA040, s1;
	s12 =	simm.s32 @!p1 $0x200  }
0xa3: {  	[tilespmem:s12], [sflag:$0x5] =	stream.linear.gather @!p1 [hbm4b:s1+s14], $0x80, $0x38;
	[tilespmem:$0x1D0F0] =	vst v63  }
0xa4: {  	_ =	swait.ge [sflag:s30], $0x3E80  }
0xa5: {  	[sflag:s30] =	ssyncset.done $0x0  }
0xa6: {  	[sflag:s30] =	ssyncadd.s32 $0xFFFFC180  }
0xa7: {  	_ =	swait.ge [sflag:s24], $0x80  }
0xa8: {  	[sflag:s24] =	ssyncset.done $0x0  }
0xa9: {  	[sflag:s24] =	ssyncadd.s32 $0xFFFFFF80  }
0xaa: {  	[spmem:s3] =	stream.indirect.scatter.add.f32 [tilespmem:s26], [sflag:$0xB], $0x80, s11, s18, $0xb8;
	[tilespmem:$0x1D0F0] =	vst v63  }
0xab: {  	_ = 	snop  }
0xac: {  	[spmem:s4] =	stream.indirect.scatter.add.f32 [tilespmem:s31], [sflag:$0xD], $0x8, s11, s18, $0xb8;
	[tilespmem:$0x1D0F0] =	vst v63  }
0xad: {  	_ =	swait.ge [sflag:s29], $0x3E80  }
0xae: {  	[sflag:s29] =	ssyncset.done $0x0  }
0xaf: {  	[sflag:s29] =	ssyncadd.s32 $0xFFFFC180  }
0xb0: {  	_ =	swait.ge [sflag:s25], $0x3E8  }
0xb1: {  	[sflag:s25] =	ssyncset.done $0x0  }
.Ltmp3:
0xb2: {  	[sflag:s25] =	ssyncadd.s32 $0xFFFFFC18;
	(pc) =	sbr.rel @p1 .LBB2_8-.Ltmp3, $4  }
0xb3: {  	s7 =	simm.s32 $0x200;
	_ =	swait.ge [sflag:s10], $0x80  }
0xb4: {  	s13 =	simm.s32 $0x80;
	s17 =	simm.s32 $0x100;
	[sflag:s10] =	ssyncset.done $0x0  }
0xb5: {  	s16 =	simm.s32 $0x280;
	s11 =	simm.s32 $0x300;
	[sflag:s10] =	ssyncadd.s32 $0xFFFFFF80  }
0xb6: {  	[tilespmem:s6], [sflag:$0xA] =	stream.indirect.gather [hbm4b:s0+s18], $0x80, s15, s18, $0xb8;
	[tilespmem:$0x1D0F0] =	vst v63  }
0xb7: {  	s1 =	sadd.s32 $0x50, s20  }
0xb8: {  	[tilespmem:s13], [sflag:$0x2] =	stream.linear.gather [hbm4b:s1+s5], $0x80, $0x38;
	[tilespmem:$0x1D0F0] =	vst v63  }
0xb9: {  	s14 =	sadd.s32 $0xA050, s20  }
0xba: {  	[tilespmem:s16], [sflag:$0x6] =	stream.linear.gather [hbm4b:s14+s5], $0x80, $0x38;
	[tilespmem:$0x1D0F0] =	vst v63  }
0xbb: {  	_ =	swait.ge [sflag:s28], $0x3E80  }
0xbc: {  	[sflag:s28] =	ssyncset.done $0x0  }
0xbd: {  	[sflag:s28] =	ssyncadd.s32 $0xFFFFC180  }
0xbe: {  	_ =	swait.ge [sflag:s2], $0x80  }
0xbf: {  	[sflag:s2] =	ssyncset.done $0x0  }
0xc0: {  	[sflag:s2] =	ssyncadd.s32 $0xFFFFFF80  }
0xc1: {  	[spmem:s3] =	stream.indirect.scatter.add.f32 [tilespmem:s6], [sflag:$0xC], $0x80, s8, s18, $0xb8;
	[tilespmem:$0x1D0F0] =	vst v63  }
0xc2: {  	_ = 	snop  }
0xc3: {  	[spmem:s4] =	stream.indirect.scatter.add.f32 [tilespmem:s31], [sflag:$0xE], $0x8, s8, s18, $0xb8;
	[tilespmem:$0x1D0F0] =	vst v63  }
0xc4: {  	_ =	swait.ge [sflag:s21], $0x3E80  }
0xc5: {  	[sflag:s21] =	ssyncset.done $0x0  }
0xc6: {  	[sflag:s21] =	ssyncadd.s32 $0xFFFFC180  }
0xc7: {  	_ =	swait.ge [sflag:s22], $0x3E8  }
0xc8: {  	[sflag:s22] =	ssyncset.done $0x0  }
0xc9: {  	s15 =	simm.s32 $0x1;
	[sflag:s22] =	ssyncadd.s32 $0xFFFFFC18  }
0xca: {  	_ =	swait.ge [sflag:s15], $0x80  }
0xcb: {  	[sflag:s15] =	ssyncset.done $0x0  }
0xcc: {  	[sflag:s15] =	ssyncadd.s32 $0xFFFFFF80  }
0xcd: {  	[tilespmem:s26], [sflag:$0x9] =	stream.indirect.gather [hbm4b:s0+s18], $0x80, s5, s18, $0xb8;
	[tilespmem:$0x1D0F0] =	vst v63  }
.Ltmp4:
0xce: {  	s16 =	sadd.s32 $0x60, s20;
	(pc) =	sbr.rel .LBB2_6-.Ltmp4, $4  }
0xcf: {  	[tilespmem:s17], [sflag:$0x3] =	stream.linear.gather [hbm4b:s16+s5], $0x80, $0x38;
	[tilespmem:$0x1D0F0] =	vst v63  }
0xd0: {  	s19 =	sadd.s32 $0x40, s19;
	s12 =	simm.s32 $0x80;
	s20 =	sadd.s32 $0xA060, s20  }
0xd1: {  	[tilespmem:s11], [sflag:$0x7] =	stream.linear.gather [hbm4b:s20+s5], $0x80, $0x38;
	[tilespmem:$0x1D0F0] =	vst v63  }
0xd2: {  	s14 =	simm.s32 $0x280;
	s16 =	simm.s32 $0x100;
	s11 =	simm.s32 $0x300  }
.LBB2_2:
0xd3: {  	s1 =	rddreg [dreg:$0xc]  }
0xd4: {  	[tilespmem:s19], [sflag:$0x1] =	stream.linear.gather [hbm4b:s1+s19], $0x80, $0x38;
	[tilespmem:$0x1D0F0] =	vst v63  }
0xd5: {  	s20 =	rddreg [dreg:$0xd]  }
0xd6: {  	[tilespmem:s7], [sflag:$0x5] =	stream.linear.gather [hbm4b:s20+s19], $0x80, $0x38;
	[tilespmem:$0x1D0F0] =	vst v63  }
0xd7: {  	s11 =	rddreg [dreg:$0x1b];
	s12 =	simm.s32 $0x80  }
0xd8: {  	[tilespmem:s12], [sflag:$0x2] =	stream.linear.gather [hbm4b:s11+s19], $0x80, $0x38;
	[tilespmem:$0x1D0F0] =	vst v63  }
0xd9: {  	s13 =	rddreg [dreg:$0xe];
	s14 =	simm.s32 $0x280  }
0xda: {  	[tilespmem:s14], [sflag:$0x6] =	stream.linear.gather [hbm4b:s13+s19], $0x80, $0x38;
	[tilespmem:$0x1D0F0] =	vst v63  }
0xdb: {  	s15 =	rddreg [dreg:$0x1c]  }
0xdc: {  	[tilespmem:s16], [sflag:$0x3] =	stream.linear.gather [hbm4b:s15+s19], $0x80, $0x38;
	[tilespmem:$0x1D0F0] =	vst v63  }
0xdd: {  	s17 =	rddreg [dreg:$0xf];
	s20 =	simm.s32 $0x1;
	s11 =	simm.s32 $0x300  }
0xde: {  	[tilespmem:s11], [sflag:$0x7] =	stream.linear.gather [hbm4b:s17+s19], $0x80, $0x38;
	[tilespmem:$0x1D0F0] =	vst v63  }
0xdf: {  	_ =	swait.ge [sflag:s20], $0x80  }
0xe0: {  	[sflag:s20] =	ssyncset.done $0x0  }
0xe1: {  	[sflag:s20] =	ssyncadd.s32 $0xFFFFFF80  }
0xe2: {  	[tilespmem:s26], [sflag:$0x9] =	stream.indirect.gather [hbm4b:s0+s18], $0x80, s19, s18, $0xb8;
	[tilespmem:$0x1D0F0] =	vst v63  }
0xe3: {  	_ =	swait.ge [sflag:s28], $0x2710  }
0xe4: {  	[sflag:s28] =	ssyncset.done $0x0  }
0xe5: {  	[sflag:s28] =	ssyncadd.s32 $0xFFFFD8F0  }
0xe6: {  	_ =	swait.ge [sflag:s29], $0x271  }
0xe7: {  	[sflag:s29] =	ssyncset.done $0x0  }
0xe8: {  	[sflag:s29] =	ssyncadd.s32 $0xFFFFFD8F  }
0xe9: {  	[bflag:$0x0] =	sbarrier.arrive $0xFFFF  }
.LBB2_3:
0xea: {  	_ =	swait.ge [sflag:s30], $0x3E80  }
0xeb: {  	[sflag:s30] =	ssyncset.done $0x0  }
0xec: {  	s1 =	simm.s32 $0x5;
	[sflag:s30] =	ssyncadd.s32 $0xFFFFC180  }
0xed: {  	_ =	swait.ge [sflag:s1], $0x80  }
0xee: {  	[sflag:s1] =	ssyncset.done $0x0  }
0xef: {  	s13 =	simm.s32 $0x200;
	p1 =	seq.s32 s19, $0x0;
	[sflag:s1] =	ssyncadd.s32 $0xFFFFFF80  }
0xf0: {  	[spmem:s3] =	stream.indirect.scatter.add.f32 [tilespmem:s26], [sflag:$0xB], $0x80, s13, s18, $0xb8;
	[tilespmem:$0x1D0F0] =	vst v63  }
0xf1: {  	s20 =	simm.s32 @!p1 $0xC  }
0xf2: {  	[spmem:s4] =	stream.indirect.scatter.add.f32 [tilespmem:s31], [sflag:$0xD], $0x8, s13, s18, $0xb8;
	[tilespmem:$0x1D0F0] =	vst v63  }
0xf3: {  	_ =	swait.ge @!p1 [sflag:s20], $0x3E80  }
0xf4: {  	[sflag:s20] =	ssyncset.done @!p1 $0x0  }
0xf5: {  	[sflag:s20] =	ssyncadd.s32 @!p1 $0xFFFFC180;
	s20 =	simm.s32 @!p1 $0xE  }
0xf6: {  	_ =	swait.ge @!p1 [sflag:s20], $0x3E8  }
0xf7: {  	[sflag:s20] =	ssyncset.done @!p1 $0x0  }
0xf8: {  	s15 =	simm.s32 $0x2;
	[sflag:s20] =	ssyncadd.s32 @!p1 $0xFFFFFC18  }
0xf9: {  	_ =	swait.ge [sflag:s15], $0x80  }
0xfa: {  	[sflag:s15] =	ssyncset.done $0x0;
	s1 =	rddreg [dreg:$0x14]  }
0xfb: {  	[sflag:s15] =	ssyncadd.s32 $0xFFFFFF80;
	s20 =	sadd.s32 s19, s1  }
0xfc: {  	[tilespmem:s6], [sflag:$0xA] =	stream.indirect.gather [hbm4b:s0+s18], $0x80, s12, s18, $0xb8;
	[tilespmem:$0x1D0F0] =	vst v63  }
0xfd: {  	s15 =	simm.s32 $0x180;
	s17 =	sadd.s32 $0x30, s20  }
0xfe: {  	[tilespmem:s15], [sflag:$0x4] =	stream.linear.gather [hbm4b:s17+s5], $0x80, $0x38;
	[tilespmem:$0x1D0F0] =	vst v63  }
0xff: {  	s17 =	sadd.s32 $0xA030, s20  }
0x100: {  	[tilespmem:s8], [sflag:$0x8] =	stream.linear.gather [hbm4b:s17+s5], $0x80, $0x38;
	[tilespmem:$0x1D0F0] =	vst v63  }
0x101: {  	_ =	swait.ge [sflag:s28], $0x3E80  }
0x102: {  	[sflag:s28] =	ssyncset.done $0x0  }
0x103: {  	[sflag:s28] =	ssyncadd.s32 $0xFFFFC180  }
0x104: {  	_ =	swait.ge [sflag:s9], $0x80  }
0x105: {  	[sflag:s9] =	ssyncset.done $0x0  }
0x106: {  	[sflag:s9] =	ssyncadd.s32 $0xFFFFFF80  }
0x107: {  	[spmem:s3] =	stream.indirect.scatter.add.f32 [tilespmem:s6], [sflag:$0xC], $0x80, s14, s18, $0xb8;
	[tilespmem:$0x1D0F0] =	vst v63  }
0x108: {  	_ = 	snop  }
0x109: {  	[spmem:s4] =	stream.indirect.scatter.add.f32 [tilespmem:s31], [sflag:$0xE], $0x8, s14, s18, $0xb8;
	[tilespmem:$0x1D0F0] =	vst v63  }
0x10a: {  	_ =	swait.ge [sflag:s21], $0x3E80  }
0x10b: {  	[sflag:s21] =	ssyncset.done $0x0  }
0x10c: {  	[sflag:s21] =	ssyncadd.s32 $0xFFFFC180  }
0x10d: {  	_ =	swait.ge [sflag:s22], $0x3E8  }
0x10e: {  	[sflag:s22] =	ssyncset.done $0x0  }
0x10f: {  	[sflag:s22] =	ssyncadd.s32 $0xFFFFFC18  }
0x110: {  	_ =	swait.ge [sflag:s23], $0x80  }
0x111: {  	p1 =	seq.s32 s19, $0x9C0;
	[sflag:s23] =	ssyncset.done $0x0  }
0x112: {  	s12 =	sadd.s32 @!p1 s19, s1;
	[sflag:s23] =	ssyncadd.s32 $0xFFFFFF80  }
0x113: {  	[tilespmem:s26], [sflag:$0x9] =	stream.indirect.gather [hbm4b:s0+s18], $0x80, s16, s18, $0xb8;
	[tilespmem:$0x1D0F0] =	vst v63  }
0x114: {  	s1 =	simm.s32 @!p1 $0x0;
	s14 =	sadd.s32 @!p1 $0x40, s12  }
0x115: {  	[tilespmem:s1], [sflag:$0x1] =	stream.linear.gather @!p1 [hbm4b:s14+s1], $0x80, $0x38;
	[tilespmem:$0x1D0F0] =	vst v63  }
0x116: {  	s12 =	sadd.s32 @!p1 $0xA040, s12;
	s14 =	simm.s32 @!p1 $0x200  }
0x117: {  	[tilespmem:s14], [sflag:$0x5] =	stream.linear.gather @!p1 [hbm4b:s12+s1], $0x80, $0x38;
	[tilespmem:$0x1D0F0] =	vst v63  }
0x118: {  	_ =	swait.ge [sflag:s30], $0x3E80  }
0x119: {  	[sflag:s30] =	ssyncset.done $0x0  }
0x11a: {  	[sflag:s30] =	ssyncadd.s32 $0xFFFFC180  }
0x11b: {  	_ =	swait.ge [sflag:s24], $0x80  }
0x11c: {  	[sflag:s24] =	ssyncset.done $0x0  }
0x11d: {  	[sflag:s24] =	ssyncadd.s32 $0xFFFFFF80  }
0x11e: {  	[spmem:s3] =	stream.indirect.scatter.add.f32 [tilespmem:s26], [sflag:$0xB], $0x80, s11, s18, $0xb8;
	[tilespmem:$0x1D0F0] =	vst v63  }
0x11f: {  	_ = 	snop  }
0x120: {  	[spmem:s4] =	stream.indirect.scatter.add.f32 [tilespmem:s31], [sflag:$0xD], $0x8, s11, s18, $0xb8;
	[tilespmem:$0x1D0F0] =	vst v63  }
0x121: {  	_ =	swait.ge [sflag:s29], $0x3E80  }
0x122: {  	[sflag:s29] =	ssyncset.done $0x0  }
0x123: {  	[sflag:s29] =	ssyncadd.s32 $0xFFFFC180  }
0x124: {  	_ =	swait.ge [sflag:s25], $0x3E8  }
0x125: {  	[sflag:s25] =	ssyncset.done $0x0  }
.Ltmp5:
0x126: {  	[sflag:s25] =	ssyncadd.s32 $0xFFFFFC18;
	(pc) =	sbr.rel @p1 .LBB2_8-.Ltmp5, $4  }
0x127: {  	s7 =	simm.s32 $0x200;
	_ =	swait.ge [sflag:s10], $0x80  }
0x128: {  	s13 =	simm.s32 $0x80;
	s17 =	simm.s32 $0x100;
	[sflag:s10] =	ssyncset.done $0x0  }
0x129: {  	s16 =	simm.s32 $0x280;
	s11 =	simm.s32 $0x300;
	[sflag:s10] =	ssyncadd.s32 $0xFFFFFF80  }
0x12a: {  	[tilespmem:s6], [sflag:$0xA] =	stream.indirect.gather [hbm4b:s0+s18], $0x80, s15, s18, $0xb8;
	[tilespmem:$0x1D0F0] =	vst v63  }
0x12b: {  	s1 =	sadd.s32 $0x50, s20  }
0x12c: {  	[tilespmem:s13], [sflag:$0x2] =	stream.linear.gather [hbm4b:s1+s5], $0x80, $0x38;
	[tilespmem:$0x1D0F0] =	vst v63  }
0x12d: {  	s14 =	sadd.s32 $0xA050, s20  }
0x12e: {  	[tilespmem:s16], [sflag:$0x6] =	stream.linear.gather [hbm4b:s14+s5], $0x80, $0x38;
	[tilespmem:$0x1D0F0] =	vst v63  }
0x12f: {  	_ =	swait.ge [sflag:s28], $0x3E80  }
0x130: {  	[sflag:s28] =	ssyncset.done $0x0  }
0x131: {  	[sflag:s28] =	ssyncadd.s32 $0xFFFFC180  }
0x132: {  	_ =	swait.ge [sflag:s2], $0x80  }
0x133: {  	[sflag:s2] =	ssyncset.done $0x0  }
0x134: {  	[sflag:s2] =	ssyncadd.s32 $0xFFFFFF80  }
0x135: {  	[spmem:s3] =	stream.indirect.scatter.add.f32 [tilespmem:s6], [sflag:$0xC], $0x80, s8, s18, $0xb8;
	[tilespmem:$0x1D0F0] =	vst v63  }
0x136: {  	_ = 	snop  }
0x137: {  	[spmem:s4] =	stream.indirect.scatter.add.f32 [tilespmem:s31], [sflag:$0xE], $0x8, s8, s18, $0xb8;
	[tilespmem:$0x1D0F0] =	vst v63  }
0x138: {  	_ =	swait.ge [sflag:s21], $0x3E80  }
0x139: {  	[sflag:s21] =	ssyncset.done $0x0  }
0x13a: {  	[sflag:s21] =	ssyncadd.s32 $0xFFFFC180  }
0x13b: {  	_ =	swait.ge [sflag:s22], $0x3E8  }
0x13c: {  	[sflag:s22] =	ssyncset.done $0x0  }
0x13d: {  	s15 =	simm.s32 $0x1;
	[sflag:s22] =	ssyncadd.s32 $0xFFFFFC18  }
0x13e: {  	_ =	swait.ge [sflag:s15], $0x80  }
0x13f: {  	[sflag:s15] =	ssyncset.done $0x0  }
0x140: {  	[sflag:s15] =	ssyncadd.s32 $0xFFFFFF80  }
0x141: {  	[tilespmem:s26], [sflag:$0x9] =	stream.indirect.gather [hbm4b:s0+s18], $0x80, s5, s18, $0xb8;
	[tilespmem:$0x1D0F0] =	vst v63  }
.Ltmp6:
0x142: {  	s16 =	sadd.s32 $0x60, s20;
	(pc) =	sbr.rel .LBB2_3-.Ltmp6, $4  }
0x143: {  	[tilespmem:s17], [sflag:$0x3] =	stream.linear.gather [hbm4b:s16+s5], $0x80, $0x38;
	[tilespmem:$0x1D0F0] =	vst v63  }
0x144: {  	s19 =	sadd.s32 $0x40, s19;
	s12 =	simm.s32 $0x80;
	s20 =	sadd.s32 $0xA060, s20  }
0x145: {  	[tilespmem:s11], [sflag:$0x7] =	stream.linear.gather [hbm4b:s20+s5], $0x80, $0x38;
	[tilespmem:$0x1D0F0] =	vst v63  }
0x146: {  	s14 =	simm.s32 $0x280;
	s16 =	simm.s32 $0x100;
	s11 =	simm.s32 $0x300  }
.LBB2_9:
0x147: {  	_ =	sfence.sel $0x180000  }
0x148: {  	[bflag:$0x0] =	sbarrier.arrive $0xFFFF  }
0x149: {  	_ =	strace $0x90000047  }
0x14a: {  	s0 =	stileid.u32;
	[bflag:$0x2] =	sbarrier.arrive $0xFFFF  }
0x14b: {  	p0 =	sne.s32 s0, $0x0;
	s0 =	rddreg [dreg:$0x6]  }
0x14c: {  	s0 =	sadd.s32 @!p0 $0x100000, s0  }
0x14d: {  	[sflag:s0] =	ssyncadd.tile.s32 @!p0 $0x1;
	_ =	shalt  }
.Lfunc_end2:
_tile_overlayer_lowered:
.L_overlay_start_2:
0x14e: {  	(tag) =	ssettag $0x2  }
0x14f: {  	s0 =	rddreg [dreg:$0x0];
	s2 =	stileid.u32  }
0x150: {  	s1 =	rddreg [dreg:$0x1];
	p0 =	sne.s32 s2, $0x0  }
0x151: {  	s3 =	rddreg [dreg:$0x2];
	[bflag:$0x3] =	sbarrier.arrive $0xFFFF;
	s2 =	simm.s32 @!p0 $0x1C0F  }
0x152: {  	[timem:s3], [sflag:s2] =	dma.local @!p0 [hbm:s0], s1  }
0x153: {  	s0 =	simm.s32 @!p0 $0xF  }
0x154: {  	_ =	swait.ge @!p0 [sflag:s0], s1  }
0x155: {  	s1 =	ssub.s32 @!p0 $0x0, s1;
	[sflag:s0] =	ssyncset.done @!p0 $0x0  }
0x156: {  	[sflag:s0] =	ssyncadd.s32 @!p0 s1  }
0x157: {  	[bflag:$0x3] =	sbarrier.arrive $0xFFFF  }
0x158: {  	_ =	shalt  }

</sc_bundles>
